<compile_context>
chip_gen: v7x
topology: tpu7x:2x2x1
jax: 0.10.2.dev20260603
libtpu: 0.0.44.dev20260713+nightly
codegen_flags: <defaults>
</compile_context>

<pallas_src>
import functools

import jax
import jax.numpy as jnp
from jax import lax
from jax.experimental import pallas as pl
from jax.experimental.pallas import tpu as pltpu
from jax.experimental.pallas import tpu_sc as plsc

N_NODES = 50000
N_EDGES = 800000
HIDDEN = 64
N_GRAPHS = 64

NC, NS = 2, 16
NW = NC * NS
EPT = N_EDGES // NW
NPAD = 50176
ROWS = NPAD // 128
SLICE = NPAD // NS
NPT = NPAD // NW
NBIN = 128

_MESH = dict(core_axis_name="c", subcore_axis_name="s",
             num_cores=NC, num_subcores=NS)
_SC_PARAMS = pltpu.CompilerParams(use_tc_tiling_on_sc=False,
                                  needs_layout_passes=False)


def _wid():
    return lax.axis_index("s") * NC + lax.axis_index("c")


def _sc_degree():

    @functools.partial(
        pl.kernel,
        out_type=jax.ShapeDtypeStruct((NC, NS, SLICE), jnp.float32),
        mesh=plsc.VectorSubcoreMesh(**_MESH),
        compiler_params=_SC_PARAMS,
        scratch_types=[
            pltpu.VMEM((EPT,), jnp.int32),
            pltpu.VMEM((EPT,), jnp.float32),
            pltpu.VMEM((SLICE,), jnp.float32),
            pltpu.VMEM_SHARED((NPAD,), jnp.float32),
        ],
    )
    def k(dst_hbm, ones_hbm, zer_hbm, out_hbm, didx, ones_v, bounce, acc):
        c = lax.axis_index("c")
        s = lax.axis_index("s")
        pltpu.sync_copy(ones_hbm, ones_v)
        pltpu.sync_copy(zer_hbm, bounce)
        pltpu.sync_copy(bounce, acc.at[pl.ds(s * SLICE, SLICE)])
        plsc.subcore_barrier()
        off = pl.multiple_of(_wid() * EPT, 8)
        pltpu.sync_copy(dst_hbm.at[pl.ds(off, EPT)], didx)
        pltpu.sync_copy(ones_v, acc.at[didx], add=True)
        plsc.subcore_barrier()
        pltpu.sync_copy(acc.at[pl.ds(s * SLICE, SLICE)], bounce)
        pltpu.sync_copy(bounce, out_hbm.at[c, s])

    return k


def _rsqrt16(y):
    i = plsc.bitcast(y, jnp.int32)
    i = 0x5F3759DF - lax.shift_right_logical(i, 1)
    r = plsc.bitcast(i, jnp.float32)
    for _ in range(3):
        r = r * (1.5 - 0.5 * y * r * r)
    return r


def _sc_pass2():

    @functools.partial(
        pl.kernel,
        out_type=(jax.ShapeDtypeStruct((NC, NS, SLICE), jnp.float32),
                  jax.ShapeDtypeStruct((NPAD,), jnp.float32),
                  jax.ShapeDtypeStruct((NPAD,), jnp.float32)),
        mesh=plsc.VectorSubcoreMesh(**_MESH),
        compiler_params=_SC_PARAMS,
        scratch_types=[
            pltpu.VMEM((EPT,), jnp.int32),
            pltpu.VMEM((EPT,), jnp.int32),
            pltpu.VMEM((EPT,), jnp.float32),
            pltpu.VMEM((SLICE,), jnp.float32),
            pltpu.VMEM((SLICE,), jnp.float32),
            pltpu.VMEM((SLICE,), jnp.float32),
            pltpu.VMEM((SLICE,), jnp.float32),
            pltpu.VMEM((SLICE,), jnp.float32),
            pltpu.VMEM_SHARED((NPAD,), jnp.float32),
            pltpu.VMEM_SHARED((NPAD,), jnp.float32),
            pltpu.SemaphoreType.DMA,
        ],
    )
    def k(src_hbm, dst_hbm, x_hbm, d0_hbm, d1_hbm, zer_hbm,
          tout_hbm, dis_hbm, z_hbm,
          sidx, didx, msg, xs, d0s, d1s, diss, bounce, tab, acc, sem):
        c = lax.axis_index("c")
        s = lax.axis_index("s")
        slc = pl.ds(s * SLICE, SLICE)
        pltpu.sync_copy(x_hbm.at[slc], xs)
        pltpu.sync_copy(d0_hbm.at[slc], d0s)
        pltpu.sync_copy(d1_hbm.at[slc], d1s)
        pltpu.sync_copy(zer_hbm, bounce)

        def ew(i, car):
            ix = pl.ds(i * 16, 16)
            r = _rsqrt16(d0s[ix] + d1s[ix] + 1.0)
            diss[ix] = r
            xs[ix] = r * xs[ix]
            return car

        lax.fori_loop(0, SLICE // 16, ew, 0)
        pltpu.sync_copy(xs, tab.at[slc])
        pltpu.sync_copy(bounce, acc.at[slc])

        @pl.when(c == 0)
        def _aux_out():
            pltpu.sync_copy(diss, dis_hbm.at[slc])
            pltpu.sync_copy(xs, z_hbm.at[slc])

        plsc.subcore_barrier()
        off = pl.multiple_of(_wid() * EPT, 8)
        pltpu.sync_copy(src_hbm.at[pl.ds(off, EPT)], sidx)
        pltpu.sync_copy(dst_hbm.at[pl.ds(off, EPT)], didx)
        pltpu.async_copy(tab.at[sidx], msg, sem).wait()
        pltpu.sync_copy(msg, acc.at[didx], add=True)
        plsc.subcore_barrier()
        pltpu.sync_copy(acc.at[slc], bounce)
        pltpu.sync_copy(bounce, tout_hbm.at[c, s])

    return k


def _sc_pass3():

    @functools.partial(
        pl.kernel,
        out_type=(jax.ShapeDtypeStruct((NC, NS, 2 * SLICE), jnp.float32),
                  jax.ShapeDtypeStruct((NPAD,), jnp.float32)),
        mesh=plsc.VectorSubcoreMesh(**_MESH),
        compiler_params=_SC_PARAMS,
        scratch_types=[
            pltpu.VMEM((EPT,), jnp.int32),
            pltpu.VMEM((EPT,), jnp.int32),
            pltpu.VMEM((EPT,), jnp.float32),
            pltpu.VMEM((SLICE,), jnp.float32),
            pltpu.VMEM((SLICE,), jnp.float32),
            pltpu.VMEM((SLICE,), jnp.float32),
            pltpu.VMEM((SLICE,), jnp.float32),
            pltpu.VMEM((2 * SLICE,), jnp.float32),
            pltpu.VMEM_SHARED((NPAD,), jnp.float32),
            pltpu.VMEM_SHARED((2 * NPAD,), jnp.float32),
            pltpu.SemaphoreType.DMA,
        ],
    )
    def k(src_hbm, dst_hbm, dis_hbm, z_hbm, t0_hbm, t1_hbm, zer2_hbm,
          out_hbm, v_hbm,
          sidx, didx, msg, diss, zs, t0s, t1s, bounce2, tab, acc, sem):
        c = lax.axis_index("c")
        s = lax.axis_index("s")
        slc = pl.ds(s * SLICE, SLICE)
        pltpu.sync_copy(dis_hbm.at[slc], diss)
        pltpu.sync_copy(z_hbm.at[slc], zs)
        pltpu.sync_copy(t0_hbm.at[slc], t0s)
        pltpu.sync_copy(t1_hbm.at[slc], t1s)
        pltpu.sync_copy(zer2_hbm, bounce2)

        def ew(i, car):
            ix = pl.ds(i * 16, 16)
            d = diss[ix]
            t0s[ix] = d * (d * (t0s[ix] + t1s[ix] + zs[ix]))
            return car

        lax.fori_loop(0, SLICE // 16, ew, 0)
        pltpu.sync_copy(t0s, tab.at[slc])
        pltpu.sync_copy(bounce2, acc.at[pl.ds(s * 2 * SLICE, 2 * SLICE)])

        @pl.when(c == 0)
        def _aux_out():
            pltpu.sync_copy(t0s, v_hbm.at[slc])

        plsc.subcore_barrier()
        off = pl.multiple_of(_wid() * EPT, 8)
        pltpu.sync_copy(src_hbm.at[pl.ds(off, EPT)], sidx)
        pltpu.sync_copy(dst_hbm.at[pl.ds(off, EPT)], didx)
        pltpu.async_copy(tab.at[sidx], msg, sem).wait()

        def sign_block(ix):
            m = msg[ix]
            didx[ix] = didx[ix] + jnp.where(m < 0.0, NPAD, 0)
            msg[ix] = jnp.abs(m)

        def sign_split(i, car):
            sign_block(pl.ds(i * 16, 16))
            return car

        lax.fori_loop(0, EPT // 16, sign_split, 0)
        if EPT % 16:
            sign_block(pl.ds(EPT - 16, 16))
        pltpu.sync_copy(msg, acc.at[didx], add=True)
        plsc.subcore_barrier()
        pltpu.sync_copy(acc.at[pl.ds(s * 2 * SLICE, 2 * SLICE)], bounce2)
        pltpu.sync_copy(bounce2, out_hbm.at[c, s])

    return k


def _bf16r(a):
    return a.astype(jnp.bfloat16).astype(jnp.float32)


def _tc_headpool(tp0, tq0, tp1, tq1, v, dis, bat, w1t, w2, b2, wlr, bl_in,
                 res_o, gacc, cacc):
    i = pl.program_id(0)

    @pl.when(i == 0)
    def _init():
        gacc[...] = jnp.zeros_like(gacc)
        cacc[...] = jnp.zeros_like(cacc)

    w1v = w1t[...]
    w2b = _bf16r(w2[...])
    va = jnp.sum(jnp.maximum(w1v, 0.0) * w2b, axis=0, keepdims=True)
    vc = jnp.sum(jnp.maximum(-w1v, 0.0) * w2b, axis=0, keepdims=True)
    d = dis[...]
    vv = v[...]
    p = d * (tp0[...] + tp1[...] + jnp.maximum(vv, 0.0))
    q = d * (tq0[...] + tq1[...] + jnp.maximum(-vv, 0.0))
    h2 = jnp.maximum(p * va + q * vc + b2[...], 0.0)
    gid = lax.broadcasted_iota(jnp.int32, (1, N_GRAPHS), 1)
    mask = (bat[...] == gid).astype(jnp.float32)
    dims = (((0,), (0,)), ((), ()))
    hi = lax.Precision.HIGHEST
    gacc[...] += lax.dot_general(h2, mask, dims, precision=hi)
    cacc[...] += lax.dot_general(jnp.ones_like(h2), mask, dims, precision=hi)

    @pl.when(i == pl.num_programs(0) - 1)
    def _finish():
        g = gacc[...] / jnp.maximum(cacc[...], 1.0)
        res_o[...] = lax.dot_general(_bf16r(wlr[...]), _bf16r(g),
                                     (((1,), (0,)), ((), ())),
                                     precision=hi) + bl_in[...]


def kernel(x, edge_index, batch, W1, b1, W2, b2, Wl, bl):
    f32 = jnp.float32
    src = edge_index[0]
    dst = edge_index[1]
    shp = jax.ShapeDtypeStruct((ROWS, 128), f32)

    ones_e = jnp.ones((EPT,), f32)
    zer_s = jnp.zeros((SLICE,), f32)
    degp = _sc_degree()(dst, ones_e, zer_s)

    xp = jnp.pad(x[:, 0], (0, NPAD - N_NODES))
    tpart, disf, zf = _sc_pass2()(src, dst, xp, degp[0].reshape(NPAD),
                                  degp[1].reshape(NPAD), zer_s)

    zer_s2 = jnp.zeros((2 * SLICE,), f32)
    pqp, vf = _sc_pass3()(src, dst, disf, zf,
                          tpart[0].reshape(NPAD),
                          tpart[1].reshape(NPAD), zer_s2)
    pq0 = pqp[0].reshape(2 * NPAD)
    pq1 = pqp[1].reshape(2 * NPAD)

    BLK = 1024
    grid = NPAD // BLK
    col = lambda a: a.reshape(NPAD, 1)
    node_spec = pl.BlockSpec((BLK, 1), lambda i: (i, 0))
    full = lambda a, b: pl.BlockSpec((a, b), lambda i: (0, 0))
    batp = jnp.pad(batch, (0, NPAD - N_NODES), constant_values=N_GRAPHS)
    res = pl.pallas_call(
        _tc_headpool,
        grid=(grid,),
        in_specs=[node_spec] * 7 + [full(HIDDEN, 1), full(HIDDEN, HIDDEN),
                                    full(1, HIDDEN), full(1, HIDDEN),
                                    full(1, 1)],
        out_specs=full(1, N_GRAPHS),
        out_shape=jax.ShapeDtypeStruct((1, N_GRAPHS), f32),
        scratch_shapes=[pltpu.VMEM((HIDDEN, N_GRAPHS), f32),
                        pltpu.VMEM((HIDDEN, N_GRAPHS), f32)],
    )(col(pq0[:NPAD]), col(pq0[NPAD:]), col(pq1[:NPAD]), col(pq1[NPAD:]),
      col(vf), col(disf), col(batp),
      W1.reshape(HIDDEN, 1), W2, b2.reshape(1, HIDDEN),
      Wl.reshape(1, HIDDEN), bl.reshape(1, 1))
    return res[0]

# --- scband reference (transcript-rebuilt; emitter-appended) ---
"""Pipeline reference for scband-gcn-62242666054176 (READ-ONLY COPY).

The authoritative reference and input builder live on the scoring server;
editing this copy changes nothing except your own understanding.
"""

import jax, jax.numpy as jnp
import numpy as np

N_NODES = 50000
N_EDGES = 800000
HIDDEN = 64
N_GRAPHS = 64


def setup_inputs(seed: int = 0) -> dict:
    key = jax.random.key(seed)
    k = jax.random.split(key, 10)
    x = jax.random.normal(k[0], (N_NODES, 1), dtype=jnp.float32)
    edge_index = jax.random.randint(k[1], (2, N_EDGES), 0, N_NODES, dtype=jnp.int64 if jax.config.jax_enable_x64 else jnp.int32).astype(jnp.int32)
    batch = jnp.sort(jax.random.randint(k[2], (N_NODES,), 0, N_GRAPHS)).astype(jnp.int32)
    # GCNConv weights (glorot-ish) and biases
    W1 = jax.random.normal(k[3], (1, HIDDEN), dtype=jnp.float32) * (1.0 / np.sqrt(1))
    b1 = jnp.zeros((HIDDEN,), dtype=jnp.float32)
    W2 = jax.random.normal(k[4], (HIDDEN, HIDDEN), dtype=jnp.float32) * (1.0 / np.sqrt(HIDDEN))
    b2 = jnp.zeros((HIDDEN,), dtype=jnp.float32)
    Wl = jax.random.normal(k[5], (HIDDEN, 1), dtype=jnp.float32) * (1.0 / np.sqrt(HIDDEN))
    bl = jnp.zeros((1,), dtype=jnp.float32)
    return {"x": x, "edge_index": edge_index, "batch": batch,
            "W1": W1, "b1": b1, "W2": W2, "b2": b2, "Wl": Wl, "bl": bl}


def _gcn_conv(x, edge_index, W, b, num_nodes):
    # PyG GCNConv: add self-loops, symmetric normalization, scatter-add aggregation
    src = edge_index[0]
    dst = edge_index[1]
    loop = jnp.arange(num_nodes, dtype=src.dtype)
    src = jnp.concatenate([src, loop])
    dst = jnp.concatenate([dst, loop])
    deg = jnp.zeros((num_nodes,), dtype=x.dtype).at[dst].add(1.0)
    deg_inv_sqrt = jnp.where(deg > 0, 1.0 / jnp.sqrt(deg), 0.0)
    norm = deg_inv_sqrt[src] * deg_inv_sqrt[dst]
    xw = x @ W
    msg = xw[src] * norm[:, None]
    out = jnp.zeros((num_nodes, W.shape[1]), dtype=x.dtype).at[dst].add(msg)
    return out + b


def _global_mean_pool(x, batch, num_graphs):
    s = jax.ops.segment_sum(x, batch, num_segments=num_graphs)
    cnt = jax.ops.segment_sum(jnp.ones((x.shape[0],), dtype=x.dtype), batch, num_segments=num_graphs)
    cnt = jnp.maximum(cnt, 1.0)
    return s / cnt[:, None]


def reference(x, edge_index, batch, W1, b1, W2, b2, Wl, bl):
    num_nodes = x.shape[0]
    h = _gcn_conv(x, edge_index, W1, b1, num_nodes)
    h = jax.nn.relu(h)
    h = _gcn_conv(h, edge_index, W2, b2, num_nodes)
    h = jax.nn.relu(h)
    g = _global_mean_pool(h, batch, N_GRAPHS)
    out = g @ Wl + bl
    return jnp.squeeze(out, axis=-1)

if __name__ == "__main__":
    import jax
    _d = setup_inputs()
    print(jax.jit(kernel)(*tuple(_d.values())))

</pallas_src>

<mosaic_0001>
#map = affine_map<(d0, d1) -> (0)>
#map1 = affine_map<(d0, d1) -> (0, 0, 0)>
module attributes {stable_mosaic.version = 14 : i64} {
  func.func @k(%arg0: i32, %arg1: i32, %arg2: memref<800000xi32, #tpu.memory_space<hbm>>, %arg3: memref<25000xf32, #tpu.memory_space<hbm>>, %arg4: memref<3136xf32, #tpu.memory_space<hbm>>, %arg5: memref<2x16x3136xf32, #tpu.memory_space<hbm>>, %arg6: memref<25000xi32, #tpu.memory_space<vmem>>, %arg7: memref<25000xf32, #tpu.memory_space<vmem>>, %arg8: memref<3136xf32, #tpu.memory_space<vmem>>, %arg9: memref<50176xf32, #tpu.memory_space<vmem_shared>>) attributes {dimension_semantics = [#tpu.dimension_semantics<core_parallel>, #tpu.dimension_semantics<subcore_parallel>], iteration_bounds = array<i64: 2, 16>, scalar_prefetch = 0 : i64, scratch_operands = 4 : i64, tpu.core_type = #tpu.core_type<sc_vector_subcore>, window_params = [{transform_indices = #map}, {transform_indices = #map}, {transform_indices = #map}, {transform_indices = #map1}]} {
    "tpu.region"() ({
      %run_scoped3A = tpu.sem_alloc : memref<!tpu.dma_semaphore, #tpu.memory_space<semaphore_mem>>
      tpu.enqueue_dma source(%arg3 : memref<25000xf32, #tpu.memory_space<hbm>>) target(%arg7 : memref<25000xf32, #tpu.memory_space<vmem>>) target_semaphore(%run_scoped3A : memref<!tpu.dma_semaphore, #tpu.memory_space<semaphore_mem>>)
      tpu.wait_dma2 semaphore(%run_scoped3A : memref<!tpu.dma_semaphore, #tpu.memory_space<semaphore_mem>>) src(%arg3 : memref<25000xf32, #tpu.memory_space<hbm>>) dst(%arg7 : memref<25000xf32, #tpu.memory_space<vmem>>)
      tpu.yield
    }) : () -> ()
    "tpu.region"() ({
      %run_scoped3A = tpu.sem_alloc : memref<!tpu.dma_semaphore, #tpu.memory_space<semaphore_mem>>
      tpu.enqueue_dma source(%arg4 : memref<3136xf32, #tpu.memory_space<hbm>>) target(%arg8 : memref<3136xf32, #tpu.memory_space<vmem>>) target_semaphore(%run_scoped3A : memref<!tpu.dma_semaphore, #tpu.memory_space<semaphore_mem>>)
      tpu.wait_dma2 semaphore(%run_scoped3A : memref<!tpu.dma_semaphore, #tpu.memory_space<semaphore_mem>>) src(%arg4 : memref<3136xf32, #tpu.memory_space<hbm>>) dst(%arg8 : memref<3136xf32, #tpu.memory_space<vmem>>)
      tpu.yield
    }) : () -> ()
    %mul3A = arith.constant 3136 : i32
    %mul3A_0 = arith.muli %arg1, %mul3A : i32
    "tpu.region"() ({
      %run_scoped3A = tpu.sem_alloc : memref<!tpu.dma_semaphore, #tpu.memory_space<semaphore_mem>>
      %dma_start3A = tpu.memref_slice %arg9[%mul3A_0] : memref<50176xf32, #tpu.memory_space<vmem_shared>> -> memref<3136xf32, #tpu.memory_space<vmem_shared>>
      %dma_start3A_8 = tpu.memref_slice %arg9[%mul3A_0] : memref<50176xf32, #tpu.memory_space<vmem_shared>> -> memref<3136xf32, #tpu.memory_space<vmem_shared>>
      tpu.enqueue_dma source(%arg8 : memref<3136xf32, #tpu.memory_space<vmem>>) target(%dma_start3A_8 : memref<3136xf32, #tpu.memory_space<vmem_shared>>) target_semaphore(%run_scoped3A : memref<!tpu.dma_semaphore, #tpu.memory_space<semaphore_mem>>)
      %dma_wait3A = tpu.memref_slice %arg9[%mul3A_0] : memref<50176xf32, #tpu.memory_space<vmem_shared>> -> memref<3136xf32, #tpu.memory_space<vmem_shared>>
      %dma_wait3A_9 = tpu.memref_slice %arg9[%mul3A_0] : memref<50176xf32, #tpu.memory_space<vmem_shared>> -> memref<3136xf32, #tpu.memory_space<vmem_shared>>
      tpu.wait_dma2 semaphore(%run_scoped3A : memref<!tpu.dma_semaphore, #tpu.memory_space<semaphore_mem>>) src(%arg8 : memref<3136xf32, #tpu.memory_space<vmem>>) dst(%dma_wait3A_9 : memref<3136xf32, #tpu.memory_space<vmem_shared>>)
      tpu.yield
    }) : () -> ()
    %barrier3A = arith.constant 0 : index
    tpu.barrier barrier_id(%barrier3A)
    %mul3A_1 = arith.constant 2 : i32
    %mul3A_2 = arith.muli %arg1, %mul3A_1 : i32
    %add3A = arith.addi %mul3A_2, %arg0 : i32
    %mul3A_3 = arith.constant 25000 : i32
    %mul3A_4 = arith.muli %add3A, %mul3A_3 : i32
    %multiple_of3A = tpu.assume_multiple %mul3A_4, 8 : i32
    "tpu.region"() ({
      %run_scoped3A = tpu.sem_alloc : memref<!tpu.dma_semaphore, #tpu.memory_space<semaphore_mem>>
      %dma_start3A = tpu.memref_slice %arg2[%multiple_of3A] : memref<800000xi32, #tpu.memory_space<hbm>> -> memref<25000xi32, #tpu.memory_space<hbm>>
      %dma_start3A_8 = tpu.memref_slice %arg2[%multiple_of3A] : memref<800000xi32, #tpu.memory_space<hbm>> -> memref<25000xi32, #tpu.memory_space<hbm>>
      tpu.enqueue_dma source(%dma_start3A_8 : memref<25000xi32, #tpu.memory_space<hbm>>) target(%arg6 : memref<25000xi32, #tpu.memory_space<vmem>>) target_semaphore(%run_scoped3A : memref<!tpu.dma_semaphore, #tpu.memory_space<semaphore_mem>>)
      %dma_wait3A = tpu.memref_slice %arg2[%multiple_of3A] : memref<800000xi32, #tpu.memory_space<hbm>> -> memref<25000xi32, #tpu.memory_space<hbm>>
      %dma_wait3A_9 = tpu.memref_slice %arg2[%multiple_of3A] : memref<800000xi32, #tpu.memory_space<hbm>> -> memref<25000xi32, #tpu.memory_space<hbm>>
      tpu.wait_dma2 semaphore(%run_scoped3A : memref<!tpu.dma_semaphore, #tpu.memory_space<semaphore_mem>>) src(%dma_wait3A_9 : memref<25000xi32, #tpu.memory_space<hbm>>) dst(%arg6 : memref<25000xi32, #tpu.memory_space<vmem>>)
      tpu.yield
    }) : () -> ()
    "tpu.region"() ({
      %run_scoped3A = tpu.sem_alloc : memref<!tpu.dma_semaphore, #tpu.memory_space<semaphore_mem>>
      %dma_start3A = arith.constant 0 : i32
      %dma_start3A_8 = tpu.memref_slice %arg9[%dma_start3A] : memref<50176xf32, #tpu.memory_space<vmem_shared>> -> memref<50176xf32, #tpu.memory_space<vmem_shared>>
      tpu.enqueue_indirect_dma source(%arg7 : memref<25000xf32, #tpu.memory_space<vmem>>) target(%dma_start3A_8 : memref<50176xf32, #tpu.memory_space<vmem_shared>>) offsets(%arg6 : memref<25000xi32, #tpu.memory_space<vmem>>) semaphore(%run_scoped3A : memref<!tpu.dma_semaphore, #tpu.memory_space<semaphore_mem>>) {add = true}
      %dma_wait3A = arith.constant 0 : i32
      %dma_wait3A_9 = tpu.memref_slice %arg9[%dma_wait3A] : memref<50176xf32, #tpu.memory_space<vmem_shared>> -> memref<50176xf32, #tpu.memory_space<vmem_shared>>
      tpu.wait_indirect_dma semaphore(%run_scoped3A : memref<!tpu.dma_semaphore, #tpu.memory_space<semaphore_mem>>) src(%arg7 : memref<25000xf32, #tpu.memory_space<vmem>>) dst(%dma_wait3A_9 : memref<50176xf32, #tpu.memory_space<vmem_shared>>)
      tpu.yield
    }) : () -> ()
    %barrier3A_5 = arith.constant 0 : index
    tpu.barrier barrier_id(%barrier3A_5)
    %mul3A_6 = arith.constant 3136 : i32
    %mul3A_7 = arith.muli %arg1, %mul3A_6 : i32
    "tpu.region"() ({
      %run_scoped3A = tpu.sem_alloc : memref<!tpu.dma_semaphore, #tpu.memory_space<semaphore_mem>>
      %dma_start3A = tpu.memref_slice %arg9[%mul3A_7] : memref<50176xf32, #tpu.memory_space<vmem_shared>> -> memref<3136xf32, #tpu.memory_space<vmem_shared>>
      %dma_start3A_8 = tpu.memref_slice %arg9[%mul3A_7] : memref<50176xf32, #tpu.memory_space<vmem_shared>> -> memref<3136xf32, #tpu.memory_space<vmem_shared>>
      tpu.enqueue_dma source(%dma_start3A_8 : memref<3136xf32, #tpu.memory_space<vmem_shared>>) target(%arg8 : memref<3136xf32, #tpu.memory_space<vmem>>) target_semaphore(%run_scoped3A : memref<!tpu.dma_semaphore, #tpu.memory_space<semaphore_mem>>)
      %dma_wait3A = tpu.memref_slice %arg9[%mul3A_7] : memref<50176xf32, #tpu.memory_space<vmem_shared>> -> memref<3136xf32, #tpu.memory_space<vmem_shared>>
      %dma_wait3A_9 = tpu.memref_slice %arg9[%mul3A_7] : memref<50176xf32, #tpu.memory_space<vmem_shared>> -> memref<3136xf32, #tpu.memory_space<vmem_shared>>
      tpu.wait_dma2 semaphore(%run_scoped3A : memref<!tpu.dma_semaphore, #tpu.memory_space<semaphore_mem>>) src(%dma_wait3A_9 : memref<3136xf32, #tpu.memory_space<vmem_shared>>) dst(%arg8 : memref<3136xf32, #tpu.memory_space<vmem>>)
      tpu.yield
    }) : () -> ()
    "tpu.region"() ({
      %run_scoped3A = tpu.sem_alloc : memref<!tpu.dma_semaphore, #tpu.memory_space<semaphore_mem>>
      %dma_start3A = arith.constant 0 : i32
      %dma_start3A_8 = tpu.memref_slice %arg5[%arg0, %arg1, %dma_start3A] : memref<2x16x3136xf32, #tpu.memory_space<hbm>> -> memref<1x1x3136xf32, #tpu.memory_space<hbm>>
      %dma_start3A_9 = tpu.memref_squeeze %dma_start3A_8 : memref<1x1x3136xf32, #tpu.memory_space<hbm>> -> memref<3136xf32, #tpu.memory_space<hbm>>
      %dma_start3A_10 = arith.constant 0 : i32
      %dma_start3A_11 = tpu.memref_slice %arg5[%arg0, %arg1, %dma_start3A_10] : memref<2x16x3136xf32, #tpu.memory_space<hbm>> -> memref<1x1x3136xf32, #tpu.memory_space<hbm>>
      %dma_start3A_12 = tpu.memref_squeeze %dma_start3A_11 : memref<1x1x3136xf32, #tpu.memory_space<hbm>> -> memref<3136xf32, #tpu.memory_space<hbm>>
      tpu.enqueue_dma source(%arg8 : memref<3136xf32, #tpu.memory_space<vmem>>) target(%dma_start3A_12 : memref<3136xf32, #tpu.memory_space<hbm>>) target_semaphore(%run_scoped3A : memref<!tpu.dma_semaphore, #tpu.memory_space<semaphore_mem>>)
      %dma_wait3A = arith.constant 0 : i32
      %dma_wait3A_13 = tpu.memref_slice %arg5[%arg0, %arg1, %dma_wait3A] : memref<2x16x3136xf32, #tpu.memory_space<hbm>> -> memref<1x1x3136xf32, #tpu.memory_space<hbm>>
      %dma_wait3A_14 = tpu.memref_squeeze %dma_wait3A_13 : memref<1x1x3136xf32, #tpu.memory_space<hbm>> -> memref<3136xf32, #tpu.memory_space<hbm>>
      %dma_wait3A_15 = arith.constant 0 : i32
      %dma_wait3A_16 = tpu.memref_slice %arg5[%arg0, %arg1, %dma_wait3A_15] : memref<2x16x3136xf32, #tpu.memory_space<hbm>> -> memref<1x1x3136xf32, #tpu.memory_space<hbm>>
      %dma_wait3A_17 = tpu.memref_squeeze %dma_wait3A_16 : memref<1x1x3136xf32, #tpu.memory_space<hbm>> -> memref<3136xf32, #tpu.memory_space<hbm>>
      tpu.wait_dma2 semaphore(%run_scoped3A : memref<!tpu.dma_semaphore, #tpu.memory_space<semaphore_mem>>) src(%arg8 : memref<3136xf32, #tpu.memory_space<vmem>>) dst(%dma_wait3A_17 : memref<3136xf32, #tpu.memory_space<hbm>>)
      tpu.yield
    }) : () -> ()
    return
  }
}

#map = affine_map<(d0, d1) -> (0)>
#map1 = affine_map<(d0, d1) -> (0, 0, 0)>
module attributes {stable_mosaic.version = 14 : i64} {
  func.func @k(%arg0: i32, %arg1: i32, %arg2: memref<800000xi32, #tpu.memory_space<hbm>>, %arg3: memref<800000xi32, #tpu.memory_space<hbm>>, %arg4: memref<50176xf32, #tpu.memory_space<hbm>>, %arg5: memref<50176xf32, #tpu.memory_space<hbm>>, %arg6: memref<50176xf32, #tpu.memory_space<hbm>>, %arg7: memref<3136xf32, #tpu.memory_space<hbm>>, %arg8: memref<2x16x3136xf32, #tpu.memory_space<hbm>>, %arg9: memref<50176xf32, #tpu.memory_space<hbm>>, %arg10: memref<50176xf32, #tpu.memory_space<hbm>>, %arg11: memref<25000xi32, #tpu.memory_space<vmem>>, %arg12: memref<25000xi32, #tpu.memory_space<vmem>>, %arg13: memref<25000xf32, #tpu.memory_space<vmem>>, %arg14: memref<3136xf32, #tpu.memory_space<vmem>>, %arg15: memref<3136xf32, #tpu.memory_space<vmem>>, %arg16: memref<3136xf32, #tpu.memory_space<vmem>>, %arg17: memref<3136xf32, #tpu.memory_space<vmem>>, %arg18: memref<3136xf32, #tpu.memory_space<vmem>>, %arg19: memref<50176xf32, #tpu.memory_space<vmem_shared>>, %arg20: memref<50176xf32, #tpu.memory_space<vmem_shared>>, %arg21: memref<!tpu.dma_semaphore, #tpu.memory_space<semaphore_mem>>) attributes {dimension_semantics = [#tpu.dimension_semantics<core_parallel>, #tpu.dimension_semantics<subcore_parallel>], iteration_bounds = array<i64: 2, 16>, scalar_prefetch = 0 : i64, scratch_operands = 11 : i64, tpu.core_type = #tpu.core_type<sc_vector_subcore>, window_params = [{transform_indices = #map}, {transform_indices = #map}, {transform_indices = #map}, {transform_indices = #map}, {transform_indices = #map}, {transform_indices = #map}, {transform_indices = #map1}, {transform_indices = #map}, {transform_indices = #map}]} {
    %mul3A = arith.constant 3136 : i32
    %mul3A_0 = arith.muli %arg1, %mul3A : i32
    "tpu.region"() ({
      %run_scoped3A = tpu.sem_alloc : memref<!tpu.dma_semaphore, #tpu.memory_space<semaphore_mem>>
      %dma_start3A_15 = tpu.memref_slice %arg4[%mul3A_0] : memref<50176xf32, #tpu.memory_space<hbm>> -> memref<3136xf32, #tpu.memory_space<hbm>>
      %dma_start3A_16 = tpu.memref_slice %arg4[%mul3A_0] : memref<50176xf32, #tpu.memory_space<hbm>> -> memref<3136xf32, #tpu.memory_space<hbm>>
      tpu.enqueue_dma source(%dma_start3A_16 : memref<3136xf32, #tpu.memory_space<hbm>>) target(%arg14 : memref<3136xf32, #tpu.memory_space<vmem>>) target_semaphore(%run_scoped3A : memref<!tpu.dma_semaphore, #tpu.memory_space<semaphore_mem>>)
      %dma_wait3A_17 = tpu.memref_slice %arg4[%mul3A_0] : memref<50176xf32, #tpu.memory_space<hbm>> -> memref<3136xf32, #tpu.memory_space<hbm>>
      %dma_wait3A_18 = tpu.memref_slice %arg4[%mul3A_0] : memref<50176xf32, #tpu.memory_space<hbm>> -> memref<3136xf32, #tpu.memory_space<hbm>>
      tpu.wait_dma2 semaphore(%run_scoped3A : memref<!tpu.dma_semaphore, #tpu.memory_space<semaphore_mem>>) src(%dma_wait3A_18 : memref<3136xf32, #tpu.memory_space<hbm>>) dst(%arg14 : memref<3136xf32, #tpu.memory_space<vmem>>)
      tpu.yield
    }) : () -> ()
    "tpu.region"() ({
      %run_scoped3A = tpu.sem_alloc : memref<!tpu.dma_semaphore, #tpu.memory_space<semaphore_mem>>
      %dma_start3A_15 = tpu.memref_slice %arg5[%mul3A_0] : memref<50176xf32, #tpu.memory_space<hbm>> -> memref<3136xf32, #tpu.memory_space<hbm>>
      %dma_start3A_16 = tpu.memref_slice %arg5[%mul3A_0] : memref<50176xf32, #tpu.memory_space<hbm>> -> memref<3136xf32, #tpu.memory_space<hbm>>
      tpu.enqueue_dma source(%dma_start3A_16 : memref<3136xf32, #tpu.memory_space<hbm>>) target(%arg15 : memref<3136xf32, #tpu.memory_space<vmem>>) target_semaphore(%run_scoped3A : memref<!tpu.dma_semaphore, #tpu.memory_space<semaphore_mem>>)
      %dma_wait3A_17 = tpu.memref_slice %arg5[%mul3A_0] : memref<50176xf32, #tpu.memory_space<hbm>> -> memref<3136xf32, #tpu.memory_space<hbm>>
      %dma_wait3A_18 = tpu.memref_slice %arg5[%mul3A_0] : memref<50176xf32, #tpu.memory_space<hbm>> -> memref<3136xf32, #tpu.memory_space<hbm>>
      tpu.wait_dma2 semaphore(%run_scoped3A : memref<!tpu.dma_semaphore, #tpu.memory_space<semaphore_mem>>) src(%dma_wait3A_18 : memref<3136xf32, #tpu.memory_space<hbm>>) dst(%arg15 : memref<3136xf32, #tpu.memory_space<vmem>>)
      tpu.yield
    }) : () -> ()
    "tpu.region"() ({
      %run_scoped3A = tpu.sem_alloc : memref<!tpu.dma_semaphore, #tpu.memory_space<semaphore_mem>>
      %dma_start3A_15 = tpu.memref_slice %arg6[%mul3A_0] : memref<50176xf32, #tpu.memory_space<hbm>> -> memref<3136xf32, #tpu.memory_space<hbm>>
      %dma_start3A_16 = tpu.memref_slice %arg6[%mul3A_0] : memref<50176xf32, #tpu.memory_space<hbm>> -> memref<3136xf32, #tpu.memory_space<hbm>>
      tpu.enqueue_dma source(%dma_start3A_16 : memref<3136xf32, #tpu.memory_space<hbm>>) target(%arg16 : memref<3136xf32, #tpu.memory_space<vmem>>) target_semaphore(%run_scoped3A : memref<!tpu.dma_semaphore, #tpu.memory_space<semaphore_mem>>)
      %dma_wait3A_17 = tpu.memref_slice %arg6[%mul3A_0] : memref<50176xf32, #tpu.memory_space<hbm>> -> memref<3136xf32, #tpu.memory_space<hbm>>
      %dma_wait3A_18 = tpu.memref_slice %arg6[%mul3A_0] : memref<50176xf32, #tpu.memory_space<hbm>> -> memref<3136xf32, #tpu.memory_space<hbm>>
      tpu.wait_dma2 semaphore(%run_scoped3A : memref<!tpu.dma_semaphore, #tpu.memory_space<semaphore_mem>>) src(%dma_wait3A_18 : memref<3136xf32, #tpu.memory_space<hbm>>) dst(%arg16 : memref<3136xf32, #tpu.memory_space<vmem>>)
      tpu.yield
    }) : () -> ()
    "tpu.region"() ({
      %run_scoped3A = tpu.sem_alloc : memref<!tpu.dma_semaphore, #tpu.memory_space<semaphore_mem>>
      tpu.enqueue_dma source(%arg7 : memref<3136xf32, #tpu.memory_space<hbm>>) target(%arg18 : memref<3136xf32, #tpu.memory_space<vmem>>) target_semaphore(%run_scoped3A : memref<!tpu.dma_semaphore, #tpu.memory_space<semaphore_mem>>)
      tpu.wait_dma2 semaphore(%run_scoped3A : memref<!tpu.dma_semaphore, #tpu.memory_space<semaphore_mem>>) src(%arg7 : memref<3136xf32, #tpu.memory_space<hbm>>) dst(%arg18 : memref<3136xf32, #tpu.memory_space<vmem>>)
      tpu.yield
    }) : () -> ()
    %scan3A = arith.constant 0 : i32
    %scan3A_1 = arith.constant 0 : i32
    %scan3A_2 = arith.constant 196 : i32
    %scan3A_3 = arith.addi %scan3A_1, %scan3A_2 : i32
    %scan3A_4 = arith.constant 1 : i32
    scf.for %scan3A_15 = %scan3A_1 to %scan3A_3 step %scan3A_4  : i32 {
      %mul3A_16 = arith.constant 16 : i32
      %mul3A_17 = arith.muli %scan3A_15, %mul3A_16 : i32
      %get3A = arith.index_cast %mul3A_17 : i32 to index
      %get3A_18 = tpu.vector_load %arg15[%get3A] {strides = array<i32>} : memref<3136xf32, #tpu.memory_space<vmem>>, vector<16xf32>,
      %get3A_19 = arith.index_cast %mul3A_17 : i32 to index
      %get3A_20 = tpu.vector_load %arg16[%get3A_19] {strides = array<i32>} : memref<3136xf32, #tpu.memory_space<vmem>>, vector<16xf32>,
      %add3A_21 = arith.addf %get3A_18, %get3A_20 : vector<16xf32>
      %add3A_22 = arith.constant 1.000000e+00 : f32
      %add3A_23 = vector.broadcast %add3A_22 : f32 to vector<16xf32>
      %add3A_24 = arith.addf %add3A_21, %add3A_23 : vector<16xf32>
      %bitcast3A = vector.bitcast %add3A_24 : vector<16xf32> to vector<16xi32>
      %shift_right_logical3A = arith.constant 1 : i32
      %shift_right_logical3A_25 = vector.broadcast %shift_right_logical3A : i32 to vector<16xi32>
      %shift_right_logical3A_26 = arith.shrui %bitcast3A, %shift_right_logical3A_25 : vector<16xi32>
      %sub3A = arith.constant 1597463007 : i32
      %sub3A_27 = vector.broadcast %sub3A : i32 to vector<16xi32>
      %sub3A_28 = arith.subi %sub3A_27, %shift_right_logical3A_26 : vector<16xi32>
      %bitcast3A_29 = vector.bitcast %sub3A_28 : vector<16xi32> to vector<16xf32>
      %mul3A_30 = arith.constant 5.000000e-01 : f32
      %mul3A_31 = vector.broadcast %mul3A_30 : f32 to vector<16xf32>
      %mul3A_32 = arith.mulf %mul3A_31, %add3A_24 : vector<16xf32>
      %mul3A_33 = arith.mulf %mul3A_32, %bitcast3A_29 : vector<16xf32>
      %mul3A_34 = arith.mulf %mul3A_33, %bitcast3A_29 : vector<16xf32>
      %sub3A_35 = arith.constant 1.500000e+00 : f32
      %sub3A_36 = vector.broadcast %sub3A_35 : f32 to vector<16xf32>
      %sub3A_37 = arith.subf %sub3A_36, %mul3A_34 : vector<16xf32>
      %mul3A_38 = arith.mulf %bitcast3A_29, %sub3A_37 : vector<16xf32>
      %mul3A_39 = arith.constant 5.000000e-01 : f32
      %mul3A_40 = vector.broadcast %mul3A_39 : f32 to vector<16xf32>
      %mul3A_41 = arith.mulf %mul3A_40, %add3A_24 : vector<16xf32>
      %mul3A_42 = arith.mulf %mul3A_41, %mul3A_38 : vector<16xf32>
      %mul3A_43 = arith.mulf %mul3A_42, %mul3A_38 : vector<16xf32>
      %sub3A_44 = arith.constant 1.500000e+00 : f32
      %sub3A_45 = vector.broadcast %sub3A_44 : f32 to vector<16xf32>
      %sub3A_46 = arith.subf %sub3A_45, %mul3A_43 : vector<16xf32>
      %mul3A_47 = arith.mulf %mul3A_38, %sub3A_46 : vector<16xf32>
      %mul3A_48 = arith.constant 5.000000e-01 : f32
      %mul3A_49 = vector.broadcast %mul3A_48 : f32 to vector<16xf32>
      %mul3A_50 = arith.mulf %mul3A_49, %add3A_24 : vector<16xf32>
      %mul3A_51 = arith.mulf %mul3A_50, %mul3A_47 : vector<16xf32>
      %mul3A_52 = arith.mulf %mul3A_51, %mul3A_47 : vector<16xf32>
      %sub3A_53 = arith.constant 1.500000e+00 : f32
      %sub3A_54 = vector.broadcast %sub3A_53 : f32 to vector<16xf32>
      %sub3A_55 = arith.subf %sub3A_54, %mul3A_52 : vector<16xf32>
      %mul3A_56 = arith.mulf %mul3A_47, %sub3A_55 : vector<16xf32>
      %swap3A = arith.index_cast %mul3A_17 : i32 to index
      %swap3A_57 = tpu.vector_load %arg17[%swap3A] {strides = array<i32>} : memref<3136xf32, #tpu.memory_space<vmem>>, vector<16xf32>,
      tpu.vector_store %arg17[%swap3A], %mul3A_56 {strides = array<i32>} : memref<3136xf32, #tpu.memory_space<vmem>>, vector<16xf32>,
      %get3A_58 = arith.index_cast %mul3A_17 : i32 to index
      %get3A_59 = tpu.vector_load %arg14[%get3A_58] {strides = array<i32>} : memref<3136xf32, #tpu.memory_space<vmem>>, vector<16xf32>,
      %mul3A_60 = arith.mulf %mul3A_56, %get3A_59 : vector<16xf32>
      %swap3A_61 = arith.index_cast %mul3A_17 : i32 to index
      %swap3A_62 = tpu.vector_load %arg14[%swap3A_61] {strides = array<i32>} : memref<3136xf32, #tpu.memory_space<vmem>>, vector<16xf32>,
      tpu.vector_store %arg14[%swap3A_61], %mul3A_60 {strides = array<i32>} : memref<3136xf32, #tpu.memory_space<vmem>>, vector<16xf32>,
    }
    %scan3A_5 = arith.constant 196 : i32
    "tpu.region"() ({
      %run_scoped3A = tpu.sem_alloc : memref<!tpu.dma_semaphore, #tpu.memory_space<semaphore_mem>>
      %dma_start3A_15 = tpu.memref_slice %arg19[%mul3A_0] : memref<50176xf32, #tpu.memory_space<vmem_shared>> -> memref<3136xf32, #tpu.memory_space<vmem_shared>>
      %dma_start3A_16 = tpu.memref_slice %arg19[%mul3A_0] : memref<50176xf32, #tpu.memory_space<vmem_shared>> -> memref<3136xf32, #tpu.memory_space<vmem_shared>>
      tpu.enqueue_dma source(%arg14 : memref<3136xf32, #tpu.memory_space<vmem>>) target(%dma_start3A_16 : memref<3136xf32, #tpu.memory_space<vmem_shared>>) target_semaphore(%run_scoped3A : memref<!tpu.dma_semaphore, #tpu.memory_space<semaphore_mem>>)
      %dma_wait3A_17 = tpu.memref_slice %arg19[%mul3A_0] : memref<50176xf32, #tpu.memory_space<vmem_shared>> -> memref<3136xf32, #tpu.memory_space<vmem_shared>>
      %dma_wait3A_18 = tpu.memref_slice %arg19[%mul3A_0] : memref<50176xf32, #tpu.memory_space<vmem_shared>> -> memref<3136xf32, #tpu.memory_space<vmem_shared>>
      tpu.wait_dma2 semaphore(%run_scoped3A : memref<!tpu.dma_semaphore, #tpu.memory_space<semaphore_mem>>) src(%arg14 : memref<3136xf32, #tpu.memory_space<vmem>>) dst(%dma_wait3A_18 : memref<3136xf32, #tpu.memory_space<vmem_shared>>)
      tpu.yield
    }) : () -> ()
    "tpu.region"() ({
      %run_scoped3A = tpu.sem_alloc : memref<!tpu.dma_semaphore, #tpu.memory_space<semaphore_mem>>
      %dma_start3A_15 = tpu.memref_slice %arg20[%mul3A_0] : memref<50176xf32, #tpu.memory_space<vmem_shared>> -> memref<3136xf32, #tpu.memory_space<vmem_shared>>
      %dma_start3A_16 = tpu.memref_slice %arg20[%mul3A_0] : memref<50176xf32, #tpu.memory_space<vmem_shared>> -> memref<3136xf32, #tpu.memory_space<vmem_shared>>
      tpu.enqueue_dma source(%arg18 : memref<3136xf32, #tpu.memory_space<vmem>>) target(%dma_start3A_16 : memref<3136xf32, #tpu.memory_space<vmem_shared>>) target_semaphore(%run_scoped3A : memref<!tpu.dma_semaphore, #tpu.memory_space<semaphore_mem>>)
      %dma_wait3A_17 = tpu.memref_slice %arg20[%mul3A_0] : memref<50176xf32, #tpu.memory_space<vmem_shared>> -> memref<3136xf32, #tpu.memory_space<vmem_shared>>
      %dma_wait3A_18 = tpu.memref_slice %arg20[%mul3A_0] : memref<50176xf32, #tpu.memory_space<vmem_shared>> -> memref<3136xf32, #tpu.memory_space<vmem_shared>>
      tpu.wait_dma2 semaphore(%run_scoped3A : memref<!tpu.dma_semaphore, #tpu.memory_space<semaphore_mem>>) src(%arg18 : memref<3136xf32, #tpu.memory_space<vmem>>) dst(%dma_wait3A_18 : memref<3136xf32, #tpu.memory_space<vmem_shared>>)
      tpu.yield
    }) : () -> ()
    %eq3A = arith.constant 0 : i32
    %eq3A_6 = arith.cmpi eq, %arg0, %eq3A : i32
    %convert_element_type3A = arith.extui %eq3A_6 : i1 to i32
    %cond3A = arith.constant 0 : i32
    %cond3A_7 = arith.cmpi ne, %convert_element_type3A, %cond3A : i32
    scf.if %cond3A_7 {
      "tpu.region"() ({
        %run_scoped3A = tpu.sem_alloc : memref<!tpu.dma_semaphore, #tpu.memory_space<semaphore_mem>>
        %dma_start3A_15 = tpu.memref_slice %arg9[%mul3A_0] : memref<50176xf32, #tpu.memory_space<hbm>> -> memref<3136xf32, #tpu.memory_space<hbm>>
        %dma_start3A_16 = tpu.memref_slice %arg9[%mul3A_0] : memref<50176xf32, #tpu.memory_space<hbm>> -> memref<3136xf32, #tpu.memory_space<hbm>>
        tpu.enqueue_dma source(%arg17 : memref<3136xf32, #tpu.memory_space<vmem>>) target(%dma_start3A_16 : memref<3136xf32, #tpu.memory_space<hbm>>) target_semaphore(%run_scoped3A : memref<!tpu.dma_semaphore, #tpu.memory_space<semaphore_mem>>)
        %dma_wait3A_17 = tpu.memref_slice %arg9[%mul3A_0] : memref<50176xf32, #tpu.memory_space<hbm>> -> memref<3136xf32, #tpu.memory_space<hbm>>
        %dma_wait3A_18 = tpu.memref_slice %arg9[%mul3A_0] : memref<50176xf32, #tpu.memory_space<hbm>> -> memref<3136xf32, #tpu.memory_space<hbm>>
        tpu.wait_dma2 semaphore(%run_scoped3A : memref<!tpu.dma_semaphore, #tpu.memory_space<semaphore_mem>>) src(%arg17 : memref<3136xf32, #tpu.memory_space<vmem>>) dst(%dma_wait3A_18 : memref<3136xf32, #tpu.memory_space<hbm>>)
        tpu.yield
      }) : () -> ()
      "tpu.region"() ({
        %run_scoped3A = tpu.sem_alloc : memref<!tpu.dma_semaphore, #tpu.memory_space<semaphore_mem>>
        %dma_start3A_15 = tpu.memref_slice %arg10[%mul3A_0] : memref<50176xf32, #tpu.memory_space<hbm>> -> memref<3136xf32, #tpu.memory_space<hbm>>
        %dma_start3A_16 = tpu.memref_slice %arg10[%mul3A_0] : memref<50176xf32, #tpu.memory_space<hbm>> -> memref<3136xf32, #tpu.memory_space<hbm>>
        tpu.enqueue_dma source(%arg14 : memref<3136xf32, #tpu.memory_space<vmem>>) target(%dma_start3A_16 : memref<3136xf32, #tpu.memory_space<hbm>>) target_semaphore(%run_scoped3A : memref<!tpu.dma_semaphore, #tpu.memory_space<semaphore_mem>>)
        %dma_wait3A_17 = tpu.memref_slice %arg10[%mul3A_0] : memref<50176xf32, #tpu.memory_space<hbm>> -> memref<3136xf32, #tpu.memory_space<hbm>>
        %dma_wait3A_18 = tpu.memref_slice %arg10[%mul3A_0] : memref<50176xf32, #tpu.memory_space<hbm>> -> memref<3136xf32, #tpu.memory_space<hbm>>
        tpu.wait_dma2 semaphore(%run_scoped3A : memref<!tpu.dma_semaphore, #tpu.memory_space<semaphore_mem>>) src(%arg14 : memref<3136xf32, #tpu.memory_space<vmem>>) dst(%dma_wait3A_18 : memref<3136xf32, #tpu.memory_space<hbm>>)
        tpu.yield
      }) : () -> ()
    } else {
    }
    %barrier3A = arith.constant 0 : index
    tpu.barrier barrier_id(%barrier3A)
    %mul3A_8 = arith.constant 2 : i32
    %mul3A_9 = arith.muli %arg1, %mul3A_8 : i32
    %add3A = arith.addi %mul3A_9, %arg0 : i32
    %mul3A_10 = arith.constant 25000 : i32
    %mul3A_11 = arith.muli %add3A, %mul3A_10 : i32
    %multiple_of3A = tpu.assume_multiple %mul3A_11, 8 : i32
    "tpu.region"() ({
      %run_scoped3A = tpu.sem_alloc : memref<!tpu.dma_semaphore, #tpu.memory_space<semaphore_mem>>
      %dma_start3A_15 = tpu.memref_slice %arg2[%multiple_of3A] : memref<800000xi32, #tpu.memory_space<hbm>> -> memref<25000xi32, #tpu.memory_space<hbm>>
      %dma_start3A_16 = tpu.memref_slice %arg2[%multiple_of3A] : memref<800000xi32, #tpu.memory_space<hbm>> -> memref<25000xi32, #tpu.memory_space<hbm>>
      tpu.enqueue_dma source(%dma_start3A_16 : memref<25000xi32, #tpu.memory_space<hbm>>) target(%arg11 : memref<25000xi32, #tpu.memory_space<vmem>>) target_semaphore(%run_scoped3A : memref<!tpu.dma_semaphore, #tpu.memory_space<semaphore_mem>>)
      %dma_wait3A_17 = tpu.memref_slice %arg2[%multiple_of3A] : memref<800000xi32, #tpu.memory_space<hbm>> -> memref<25000xi32, #tpu.memory_space<hbm>>
      %dma_wait3A_18 = tpu.memref_slice %arg2[%multiple_of3A] : memref<800000xi32, #tpu.memory_space<hbm>> -> memref<25000xi32, #tpu.memory_space<hbm>>
      tpu.wait_dma2 semaphore(%run_scoped3A : memref<!tpu.dma_semaphore, #tpu.memory_space<semaphore_mem>>) src(%dma_wait3A_18 : memref<25000xi32, #tpu.memory_space<hbm>>) dst(%arg11 : memref<25000xi32, #tpu.memory_space<vmem>>)
      tpu.yield
    }) : () -> ()
    "tpu.region"() ({
      %run_scoped3A = tpu.sem_alloc : memref<!tpu.dma_semaphore, #tpu.memory_space<semaphore_mem>>
      %dma_start3A_15 = tpu.memref_slice %arg3[%multiple_of3A] : memref<800000xi32, #tpu.memory_space<hbm>> -> memref<25000xi32, #tpu.memory_space<hbm>>
      %dma_start3A_16 = tpu.memref_slice %arg3[%multiple_of3A] : memref<800000xi32, #tpu.memory_space<hbm>> -> memref<25000xi32, #tpu.memory_space<hbm>>
      tpu.enqueue_dma source(%dma_start3A_16 : memref<25000xi32, #tpu.memory_space<hbm>>) target(%arg12 : memref<25000xi32, #tpu.memory_space<vmem>>) target_semaphore(%run_scoped3A : memref<!tpu.dma_semaphore, #tpu.memory_space<semaphore_mem>>)
      %dma_wait3A_17 = tpu.memref_slice %arg3[%multiple_of3A] : memref<800000xi32, #tpu.memory_space<hbm>> -> memref<25000xi32, #tpu.memory_space<hbm>>
      %dma_wait3A_18 = tpu.memref_slice %arg3[%multiple_of3A] : memref<800000xi32, #tpu.memory_space<hbm>> -> memref<25000xi32, #tpu.memory_space<hbm>>
      tpu.wait_dma2 semaphore(%run_scoped3A : memref<!tpu.dma_semaphore, #tpu.memory_space<semaphore_mem>>) src(%dma_wait3A_18 : memref<25000xi32, #tpu.memory_space<hbm>>) dst(%arg12 : memref<25000xi32, #tpu.memory_space<vmem>>)
      tpu.yield
    }) : () -> ()
    %dma_start3A = arith.constant 0 : i32
    %dma_start3A_12 = tpu.memref_slice %arg19[%dma_start3A] : memref<50176xf32, #tpu.memory_space<vmem_shared>> -> memref<50176xf32, #tpu.memory_space<vmem_shared>>
    tpu.enqueue_indirect_dma source(%dma_start3A_12 : memref<50176xf32, #tpu.memory_space<vmem_shared>>) target(%arg13 : memref<25000xf32, #tpu.memory_space<vmem>>) offsets(%arg11 : memref<25000xi32, #tpu.memory_space<vmem>>) semaphore(%arg21 : memref<!tpu.dma_semaphore, #tpu.memory_space<semaphore_mem>>)
    %dma_wait3A = arith.constant 0 : i32
    %dma_wait3A_13 = tpu.memref_slice %arg19[%dma_wait3A] : memref<50176xf32, #tpu.memory_space<vmem_shared>> -> memref<50176xf32, #tpu.memory_space<vmem_shared>>
    tpu.wait_indirect_dma semaphore(%arg21 : memref<!tpu.dma_semaphore, #tpu.memory_space<semaphore_mem>>) src(%dma_wait3A_13 : memref<50176xf32, #tpu.memory_space<vmem_shared>>) dst(%arg13 : memref<25000xf32, #tpu.memory_space<vmem>>)
    "tpu.region"() ({
      %run_scoped3A = tpu.sem_alloc : memref<!tpu.dma_semaphore, #tpu.memory_space<semaphore_mem>>
      %dma_start3A_15 = arith.constant 0 : i32
      %dma_start3A_16 = tpu.memref_slice %arg20[%dma_start3A_15] : memref<50176xf32, #tpu.memory_space<vmem_shared>> -> memref<50176xf32, #tpu.memory_space<vmem_shared>>
      tpu.enqueue_indirect_dma source(%arg13 : memref<25000xf32, #tpu.memory_space<vmem>>) target(%dma_start3A_16 : memref<50176xf32, #tpu.memory_space<vmem_shared>>) offsets(%arg12 : memref<25000xi32, #tpu.memory_space<vmem>>) semaphore(%run_scoped3A : memref<!tpu.dma_semaphore, #tpu.memory_space<semaphore_mem>>) {add = true}
      %dma_wait3A_17 = arith.constant 0 : i32
      %dma_wait3A_18 = tpu.memref_slice %arg20[%dma_wait3A_17] : memref<50176xf32, #tpu.memory_space<vmem_shared>> -> memref<50176xf32, #tpu.memory_space<vmem_shared>>
      tpu.wait_indirect_dma semaphore(%run_scoped3A : memref<!tpu.dma_semaphore, #tpu.memory_space<semaphore_mem>>) src(%arg13 : memref<25000xf32, #tpu.memory_space<vmem>>) dst(%dma_wait3A_18 : memref<50176xf32, #tpu.memory_space<vmem_shared>>)
      tpu.yield
    }) : () -> ()
    %barrier3A_14 = arith.constant 0 : index
    tpu.barrier barrier_id(%barrier3A_14)
    "tpu.region"() ({
      %run_scoped3A = tpu.sem_alloc : memref<!tpu.dma_semaphore, #tpu.memory_space<semaphore_mem>>
      %dma_start3A_15 = tpu.memref_slice %arg20[%mul3A_0] : memref<50176xf32, #tpu.memory_space<vmem_shared>> -> memref<3136xf32, #tpu.memory_space<vmem_shared>>
      %dma_start3A_16 = tpu.memref_slice %arg20[%mul3A_0] : memref<50176xf32, #tpu.memory_space<vmem_shared>> -> memref<3136xf32, #tpu.memory_space<vmem_shared>>
      tpu.enqueue_dma source(%dma_start3A_16 : memref<3136xf32, #tpu.memory_space<vmem_shared>>) target(%arg18 : memref<3136xf32, #tpu.memory_space<vmem>>) target_semaphore(%run_scoped3A : memref<!tpu.dma_semaphore, #tpu.memory_space<semaphore_mem>>)
      %dma_wait3A_17 = tpu.memref_slice %arg20[%mul3A_0] : memref<50176xf32, #tpu.memory_space<vmem_shared>> -> memref<3136xf32, #tpu.memory_space<vmem_shared>>
      %dma_wait3A_18 = tpu.memref_slice %arg20[%mul3A_0] : memref<50176xf32, #tpu.memory_space<vmem_shared>> -> memref<3136xf32, #tpu.memory_space<vmem_shared>>
      tpu.wait_dma2 semaphore(%run_scoped3A : memref<!tpu.dma_semaphore, #tpu.memory_space<semaphore_mem>>) src(%dma_wait3A_18 : memref<3136xf32, #tpu.memory_space<vmem_shared>>) dst(%arg18 : memref<3136xf32, #tpu.memory_space<vmem>>)
      tpu.yield
    }) : () -> ()
    "tpu.region"() ({
      %run_scoped3A = tpu.sem_alloc : memref<!tpu.dma_semaphore, #tpu.memory_space<semaphore_mem>>
      %dma_start3A_15 = arith.constant 0 : i32
      %dma_start3A_16 = tpu.memref_slice %arg8[%arg0, %arg1, %dma_start3A_15] : memref<2x16x3136xf32, #tpu.memory_space<hbm>> -> memref<1x1x3136xf32, #tpu.memory_space<hbm>>
      %dma_start3A_17 = tpu.memref_squeeze %dma_start3A_16 : memref<1x1x3136xf32, #tpu.memory_space<hbm>> -> memref<3136xf32, #tpu.memory_space<hbm>>
      %dma_start3A_18 = arith.constant 0 : i32
      %dma_start3A_19 = tpu.memref_slice %arg8[%arg0, %arg1, %dma_start3A_18] : memref<2x16x3136xf32, #tpu.memory_space<hbm>> -> memref<1x1x3136xf32, #tpu.memory_space<hbm>>
      %dma_start3A_20 = tpu.memref_squeeze %dma_start3A_19 : memref<1x1x3136xf32, #tpu.memory_space<hbm>> -> memref<3136xf32, #tpu.memory_space<hbm>>
      tpu.enqueue_dma source(%arg18 : memref<3136xf32, #tpu.memory_space<vmem>>) target(%dma_start3A_20 : memref<3136xf32, #tpu.memory_space<hbm>>) target_semaphore(%run_scoped3A : memref<!tpu.dma_semaphore, #tpu.memory_space<semaphore_mem>>)
      %dma_wait3A_21 = arith.constant 0 : i32
      %dma_wait3A_22 = tpu.memref_slice %arg8[%arg0, %arg1, %dma_wait3A_21] : memref<2x16x3136xf32, #tpu.memory_space<hbm>> -> memref<1x1x3136xf32, #tpu.memory_space<hbm>>
      %dma_wait3A_23 = tpu.memref_squeeze %dma_wait3A_22 : memref<1x1x3136xf32, #tpu.memory_space<hbm>> -> memref<3136xf32, #tpu.memory_space<hbm>>
      %dma_wait3A_24 = arith.constant 0 : i32
      %dma_wait3A_25 = tpu.memref_slice %arg8[%arg0, %arg1, %dma_wait3A_24] : memref<2x16x3136xf32, #tpu.memory_space<hbm>> -> memref<1x1x3136xf32, #tpu.memory_space<hbm>>
      %dma_wait3A_26 = tpu.memref_squeeze %dma_wait3A_25 : memref<1x1x3136xf32, #tpu.memory_space<hbm>> -> memref<3136xf32, #tpu.memory_space<hbm>>
      tpu.wait_dma2 semaphore(%run_scoped3A : memref<!tpu.dma_semaphore, #tpu.memory_space<semaphore_mem>>) src(%arg18 : memref<3136xf32, #tpu.memory_space<vmem>>) dst(%dma_wait3A_26 : memref<3136xf32, #tpu.memory_space<hbm>>)
      tpu.yield
    }) : () -> ()
    return
  }
}

#map = affine_map<(d0, d1) -> (0)>
#map1 = affine_map<(d0, d1) -> (0, 0, 0)>
module attributes {stable_mosaic.version = 14 : i64} {
  func.func @k(%arg0: i32, %arg1: i32, %arg2: memref<800000xi32, #tpu.memory_space<hbm>>, %arg3: memref<800000xi32, #tpu.memory_space<hbm>>, %arg4: memref<50176xf32, #tpu.memory_space<hbm>>, %arg5: memref<50176xf32, #tpu.memory_space<hbm>>, %arg6: memref<50176xf32, #tpu.memory_space<hbm>>, %arg7: memref<50176xf32, #tpu.memory_space<hbm>>, %arg8: memref<6272xf32, #tpu.memory_space<hbm>>, %arg9: memref<2x16x6272xf32, #tpu.memory_space<hbm>>, %arg10: memref<50176xf32, #tpu.memory_space<hbm>>, %arg11: memref<25000xi32, #tpu.memory_space<vmem>>, %arg12: memref<25000xi32, #tpu.memory_space<vmem>>, %arg13: memref<25000xf32, #tpu.memory_space<vmem>>, %arg14: memref<3136xf32, #tpu.memory_space<vmem>>, %arg15: memref<3136xf32, #tpu.memory_space<vmem>>, %arg16: memref<3136xf32, #tpu.memory_space<vmem>>, %arg17: memref<3136xf32, #tpu.memory_space<vmem>>, %arg18: memref<6272xf32, #tpu.memory_space<vmem>>, %arg19: memref<50176xf32, #tpu.memory_space<vmem_shared>>, %arg20: memref<100352xf32, #tpu.memory_space<vmem_shared>>, %arg21: memref<!tpu.dma_semaphore, #tpu.memory_space<semaphore_mem>>) attributes {dimension_semantics = [#tpu.dimension_semantics<core_parallel>, #tpu.dimension_semantics<subcore_parallel>], iteration_bounds = array<i64: 2, 16>, scalar_prefetch = 0 : i64, scratch_operands = 11 : i64, tpu.core_type = #tpu.core_type<sc_vector_subcore>, window_params = [{transform_indices = #map}, {transform_indices = #map}, {transform_indices = #map}, {transform_indices = #map}, {transform_indices = #map}, {transform_indices = #map}, {transform_indices = #map}, {transform_indices = #map1}, {transform_indices = #map}]} {
    %mul3A = arith.constant 3136 : i32
    %mul3A_0 = arith.muli %arg1, %mul3A : i32
    "tpu.region"() ({
      %run_scoped3A = tpu.sem_alloc : memref<!tpu.dma_semaphore, #tpu.memory_space<semaphore_mem>>
      %dma_start3A_40 = tpu.memref_slice %arg4[%mul3A_0] : memref<50176xf32, #tpu.memory_space<hbm>> -> memref<3136xf32, #tpu.memory_space<hbm>>
      %dma_start3A_41 = tpu.memref_slice %arg4[%mul3A_0] : memref<50176xf32, #tpu.memory_space<hbm>> -> memref<3136xf32, #tpu.memory_space<hbm>>
      tpu.enqueue_dma source(%dma_start3A_41 : memref<3136xf32, #tpu.memory_space<hbm>>) target(%arg14 : memref<3136xf32, #tpu.memory_space<vmem>>) target_semaphore(%run_scoped3A : memref<!tpu.dma_semaphore, #tpu.memory_space<semaphore_mem>>)
      %dma_wait3A_42 = tpu.memref_slice %arg4[%mul3A_0] : memref<50176xf32, #tpu.memory_space<hbm>> -> memref<3136xf32, #tpu.memory_space<hbm>>
      %dma_wait3A_43 = tpu.memref_slice %arg4[%mul3A_0] : memref<50176xf32, #tpu.memory_space<hbm>> -> memref<3136xf32, #tpu.memory_space<hbm>>
      tpu.wait_dma2 semaphore(%run_scoped3A : memref<!tpu.dma_semaphore, #tpu.memory_space<semaphore_mem>>) src(%dma_wait3A_43 : memref<3136xf32, #tpu.memory_space<hbm>>) dst(%arg14 : memref<3136xf32, #tpu.memory_space<vmem>>)
      tpu.yield
    }) : () -> ()
    "tpu.region"() ({
      %run_scoped3A = tpu.sem_alloc : memref<!tpu.dma_semaphore, #tpu.memory_space<semaphore_mem>>
      %dma_start3A_40 = tpu.memref_slice %arg5[%mul3A_0] : memref<50176xf32, #tpu.memory_space<hbm>> -> memref<3136xf32, #tpu.memory_space<hbm>>
      %dma_start3A_41 = tpu.memref_slice %arg5[%mul3A_0] : memref<50176xf32, #tpu.memory_space<hbm>> -> memref<3136xf32, #tpu.memory_space<hbm>>
      tpu.enqueue_dma source(%dma_start3A_41 : memref<3136xf32, #tpu.memory_space<hbm>>) target(%arg15 : memref<3136xf32, #tpu.memory_space<vmem>>) target_semaphore(%run_scoped3A : memref<!tpu.dma_semaphore, #tpu.memory_space<semaphore_mem>>)
      %dma_wait3A_42 = tpu.memref_slice %arg5[%mul3A_0] : memref<50176xf32, #tpu.memory_space<hbm>> -> memref<3136xf32, #tpu.memory_space<hbm>>
      %dma_wait3A_43 = tpu.memref_slice %arg5[%mul3A_0] : memref<50176xf32, #tpu.memory_space<hbm>> -> memref<3136xf32, #tpu.memory_space<hbm>>
      tpu.wait_dma2 semaphore(%run_scoped3A : memref<!tpu.dma_semaphore, #tpu.memory_space<semaphore_mem>>) src(%dma_wait3A_43 : memref<3136xf32, #tpu.memory_space<hbm>>) dst(%arg15 : memref<3136xf32, #tpu.memory_space<vmem>>)
      tpu.yield
    }) : () -> ()
    "tpu.region"() ({
      %run_scoped3A = tpu.sem_alloc : memref<!tpu.dma_semaphore, #tpu.memory_space<semaphore_mem>>
      %dma_start3A_40 = tpu.memref_slice %arg6[%mul3A_0] : memref<50176xf32, #tpu.memory_space<hbm>> -> memref<3136xf32, #tpu.memory_space<hbm>>
      %dma_start3A_41 = tpu.memref_slice %arg6[%mul3A_0] : memref<50176xf32, #tpu.memory_space<hbm>> -> memref<3136xf32, #tpu.memory_space<hbm>>
      tpu.enqueue_dma source(%dma_start3A_41 : memref<3136xf32, #tpu.memory_space<hbm>>) target(%arg16 : memref<3136xf32, #tpu.memory_space<vmem>>) target_semaphore(%run_scoped3A : memref<!tpu.dma_semaphore, #tpu.memory_space<semaphore_mem>>)
      %dma_wait3A_42 = tpu.memref_slice %arg6[%mul3A_0] : memref<50176xf32, #tpu.memory_space<hbm>> -> memref<3136xf32, #tpu.memory_space<hbm>>
      %dma_wait3A_43 = tpu.memref_slice %arg6[%mul3A_0] : memref<50176xf32, #tpu.memory_space<hbm>> -> memref<3136xf32, #tpu.memory_space<hbm>>
      tpu.wait_dma2 semaphore(%run_scoped3A : memref<!tpu.dma_semaphore, #tpu.memory_space<semaphore_mem>>) src(%dma_wait3A_43 : memref<3136xf32, #tpu.memory_space<hbm>>) dst(%arg16 : memref<3136xf32, #tpu.memory_space<vmem>>)
      tpu.yield
    }) : () -> ()
    "tpu.region"() ({
      %run_scoped3A = tpu.sem_alloc : memref<!tpu.dma_semaphore, #tpu.memory_space<semaphore_mem>>
      %dma_start3A_40 = tpu.memref_slice %arg7[%mul3A_0] : memref<50176xf32, #tpu.memory_space<hbm>> -> memref<3136xf32, #tpu.memory_space<hbm>>
      %dma_start3A_41 = tpu.memref_slice %arg7[%mul3A_0] : memref<50176xf32, #tpu.memory_space<hbm>> -> memref<3136xf32, #tpu.memory_space<hbm>>
      tpu.enqueue_dma source(%dma_start3A_41 : memref<3136xf32, #tpu.memory_space<hbm>>) target(%arg17 : memref<3136xf32, #tpu.memory_space<vmem>>) target_semaphore(%run_scoped3A : memref<!tpu.dma_semaphore, #tpu.memory_space<semaphore_mem>>)
      %dma_wait3A_42 = tpu.memref_slice %arg7[%mul3A_0] : memref<50176xf32, #tpu.memory_space<hbm>> -> memref<3136xf32, #tpu.memory_space<hbm>>
      %dma_wait3A_43 = tpu.memref_slice %arg7[%mul3A_0] : memref<50176xf32, #tpu.memory_space<hbm>> -> memref<3136xf32, #tpu.memory_space<hbm>>
      tpu.wait_dma2 semaphore(%run_scoped3A : memref<!tpu.dma_semaphore, #tpu.memory_space<semaphore_mem>>) src(%dma_wait3A_43 : memref<3136xf32, #tpu.memory_space<hbm>>) dst(%arg17 : memref<3136xf32, #tpu.memory_space<vmem>>)
      tpu.yield
    }) : () -> ()
    "tpu.region"() ({
      %run_scoped3A = tpu.sem_alloc : memref<!tpu.dma_semaphore, #tpu.memory_space<semaphore_mem>>
      tpu.enqueue_dma source(%arg8 : memref<6272xf32, #tpu.memory_space<hbm>>) target(%arg18 : memref<6272xf32, #tpu.memory_space<vmem>>) target_semaphore(%run_scoped3A : memref<!tpu.dma_semaphore, #tpu.memory_space<semaphore_mem>>)
      tpu.wait_dma2 semaphore(%run_scoped3A : memref<!tpu.dma_semaphore, #tpu.memory_space<semaphore_mem>>) src(%arg8 : memref<6272xf32, #tpu.memory_space<hbm>>) dst(%arg18 : memref<6272xf32, #tpu.memory_space<vmem>>)
      tpu.yield
    }) : () -> ()
    %scan3A = arith.constant 0 : i32
    %scan3A_1 = arith.constant 0 : i32
    %scan3A_2 = arith.constant 196 : i32
    %scan3A_3 = arith.addi %scan3A_1, %scan3A_2 : i32
    %scan3A_4 = arith.constant 1 : i32
    scf.for %scan3A_40 = %scan3A_1 to %scan3A_3 step %scan3A_4  : i32 {
      %mul3A_41 = arith.constant 16 : i32
      %mul3A_42 = arith.muli %scan3A_40, %mul3A_41 : i32
      %get3A_43 = arith.index_cast %mul3A_42 : i32 to index
      %get3A_44 = tpu.vector_load %arg14[%get3A_43] {strides = array<i32>} : memref<3136xf32, #tpu.memory_space<vmem>>, vector<16xf32>,
      %get3A_45 = arith.index_cast %mul3A_42 : i32 to index
      %get3A_46 = tpu.vector_load %arg16[%get3A_45] {strides = array<i32>} : memref<3136xf32, #tpu.memory_space<vmem>>, vector<16xf32>,
      %get3A_47 = arith.index_cast %mul3A_42 : i32 to index
      %get3A_48 = tpu.vector_load %arg17[%get3A_47] {strides = array<i32>} : memref<3136xf32, #tpu.memory_space<vmem>>, vector<16xf32>,
      %add3A_49 = arith.addf %get3A_46, %get3A_48 : vector<16xf32>
      %get3A_50 = arith.index_cast %mul3A_42 : i32 to index
      %get3A_51 = tpu.vector_load %arg15[%get3A_50] {strides = array<i32>} : memref<3136xf32, #tpu.memory_space<vmem>>, vector<16xf32>,
      %add3A_52 = arith.addf %add3A_49, %get3A_51 : vector<16xf32>
      %mul3A_53 = arith.mulf %get3A_44, %add3A_52 : vector<16xf32>
      %mul3A_54 = arith.mulf %get3A_44, %mul3A_53 : vector<16xf32>
      %swap3A_55 = arith.index_cast %mul3A_42 : i32 to index
      %swap3A_56 = tpu.vector_load %arg16[%swap3A_55] {strides = array<i32>} : memref<3136xf32, #tpu.memory_space<vmem>>, vector<16xf32>,
      tpu.vector_store %arg16[%swap3A_55], %mul3A_54 {strides = array<i32>} : memref<3136xf32, #tpu.memory_space<vmem>>, vector<16xf32>,
    }
    %scan3A_5 = arith.constant 196 : i32
    "tpu.region"() ({
      %run_scoped3A = tpu.sem_alloc : memref<!tpu.dma_semaphore, #tpu.memory_space<semaphore_mem>>
      %dma_start3A_40 = tpu.memref_slice %arg19[%mul3A_0] : memref<50176xf32, #tpu.memory_space<vmem_shared>> -> memref<3136xf32, #tpu.memory_space<vmem_shared>>
      %dma_start3A_41 = tpu.memref_slice %arg19[%mul3A_0] : memref<50176xf32, #tpu.memory_space<vmem_shared>> -> memref<3136xf32, #tpu.memory_space<vmem_shared>>
      tpu.enqueue_dma source(%arg16 : memref<3136xf32, #tpu.memory_space<vmem>>) target(%dma_start3A_41 : memref<3136xf32, #tpu.memory_space<vmem_shared>>) target_semaphore(%run_scoped3A : memref<!tpu.dma_semaphore, #tpu.memory_space<semaphore_mem>>)
      %dma_wait3A_42 = tpu.memref_slice %arg19[%mul3A_0] : memref<50176xf32, #tpu.memory_space<vmem_shared>> -> memref<3136xf32, #tpu.memory_space<vmem_shared>>
      %dma_wait3A_43 = tpu.memref_slice %arg19[%mul3A_0] : memref<50176xf32, #tpu.memory_space<vmem_shared>> -> memref<3136xf32, #tpu.memory_space<vmem_shared>>
      tpu.wait_dma2 semaphore(%run_scoped3A : memref<!tpu.dma_semaphore, #tpu.memory_space<semaphore_mem>>) src(%arg16 : memref<3136xf32, #tpu.memory_space<vmem>>) dst(%dma_wait3A_43 : memref<3136xf32, #tpu.memory_space<vmem_shared>>)
      tpu.yield
    }) : () -> ()
    %mul3A_6 = arith.constant 2 : i32
    %mul3A_7 = arith.muli %arg1, %mul3A_6 : i32
    %mul3A_8 = arith.constant 3136 : i32
    %mul3A_9 = arith.muli %mul3A_7, %mul3A_8 : i32
    "tpu.region"() ({
      %run_scoped3A = tpu.sem_alloc : memref<!tpu.dma_semaphore, #tpu.memory_space<semaphore_mem>>
      %dma_start3A_40 = tpu.memref_slice %arg20[%mul3A_9] : memref<100352xf32, #tpu.memory_space<vmem_shared>> -> memref<6272xf32, #tpu.memory_space<vmem_shared>>
      %dma_start3A_41 = tpu.memref_slice %arg20[%mul3A_9] : memref<100352xf32, #tpu.memory_space<vmem_shared>> -> memref<6272xf32, #tpu.memory_space<vmem_shared>>
      tpu.enqueue_dma source(%arg18 : memref<6272xf32, #tpu.memory_space<vmem>>) target(%dma_start3A_41 : memref<6272xf32, #tpu.memory_space<vmem_shared>>) target_semaphore(%run_scoped3A : memref<!tpu.dma_semaphore, #tpu.memory_space<semaphore_mem>>)
      %dma_wait3A_42 = tpu.memref_slice %arg20[%mul3A_9] : memref<100352xf32, #tpu.memory_space<vmem_shared>> -> memref<6272xf32, #tpu.memory_space<vmem_shared>>
      %dma_wait3A_43 = tpu.memref_slice %arg20[%mul3A_9] : memref<100352xf32, #tpu.memory_space<vmem_shared>> -> memref<6272xf32, #tpu.memory_space<vmem_shared>>
      tpu.wait_dma2 semaphore(%run_scoped3A : memref<!tpu.dma_semaphore, #tpu.memory_space<semaphore_mem>>) src(%arg18 : memref<6272xf32, #tpu.memory_space<vmem>>) dst(%dma_wait3A_43 : memref<6272xf32, #tpu.memory_space<vmem_shared>>)
      tpu.yield
    }) : () -> ()
    %eq3A = arith.constant 0 : i32
    %eq3A_10 = arith.cmpi eq, %arg0, %eq3A : i32
    %convert_element_type3A = arith.extui %eq3A_10 : i1 to i32
    %cond3A = arith.constant 0 : i32
    %cond3A_11 = arith.cmpi ne, %convert_element_type3A, %cond3A : i32
    scf.if %cond3A_11 {
      "tpu.region"() ({
        %run_scoped3A = tpu.sem_alloc : memref<!tpu.dma_semaphore, #tpu.memory_space<semaphore_mem>>
        %dma_start3A_40 = tpu.memref_slice %arg10[%mul3A_0] : memref<50176xf32, #tpu.memory_space<hbm>> -> memref<3136xf32, #tpu.memory_space<hbm>>
        %dma_start3A_41 = tpu.memref_slice %arg10[%mul3A_0] : memref<50176xf32, #tpu.memory_space<hbm>> -> memref<3136xf32, #tpu.memory_space<hbm>>
        tpu.enqueue_dma source(%arg16 : memref<3136xf32, #tpu.memory_space<vmem>>) target(%dma_start3A_41 : memref<3136xf32, #tpu.memory_space<hbm>>) target_semaphore(%run_scoped3A : memref<!tpu.dma_semaphore, #tpu.memory_space<semaphore_mem>>)
        %dma_wait3A_42 = tpu.memref_slice %arg10[%mul3A_0] : memref<50176xf32, #tpu.memory_space<hbm>> -> memref<3136xf32, #tpu.memory_space<hbm>>
        %dma_wait3A_43 = tpu.memref_slice %arg10[%mul3A_0] : memref<50176xf32, #tpu.memory_space<hbm>> -> memref<3136xf32, #tpu.memory_space<hbm>>
        tpu.wait_dma2 semaphore(%run_scoped3A : memref<!tpu.dma_semaphore, #tpu.memory_space<semaphore_mem>>) src(%arg16 : memref<3136xf32, #tpu.memory_space<vmem>>) dst(%dma_wait3A_43 : memref<3136xf32, #tpu.memory_space<hbm>>)
        tpu.yield
      }) : () -> ()
    } else {
    }
    %barrier3A = arith.constant 0 : index
    tpu.barrier barrier_id(%barrier3A)
    %mul3A_12 = arith.constant 2 : i32
    %mul3A_13 = arith.muli %arg1, %mul3A_12 : i32
    %add3A = arith.addi %mul3A_13, %arg0 : i32
    %mul3A_14 = arith.constant 25000 : i32
    %mul3A_15 = arith.muli %add3A, %mul3A_14 : i32
    %multiple_of3A = tpu.assume_multiple %mul3A_15, 8 : i32
    "tpu.region"() ({
      %run_scoped3A = tpu.sem_alloc : memref<!tpu.dma_semaphore, #tpu.memory_space<semaphore_mem>>
      %dma_start3A_40 = tpu.memref_slice %arg2[%multiple_of3A] : memref<800000xi32, #tpu.memory_space<hbm>> -> memref<25000xi32, #tpu.memory_space<hbm>>
      %dma_start3A_41 = tpu.memref_slice %arg2[%multiple_of3A] : memref<800000xi32, #tpu.memory_space<hbm>> -> memref<25000xi32, #tpu.memory_space<hbm>>
      tpu.enqueue_dma source(%dma_start3A_41 : memref<25000xi32, #tpu.memory_space<hbm>>) target(%arg11 : memref<25000xi32, #tpu.memory_space<vmem>>) target_semaphore(%run_scoped3A : memref<!tpu.dma_semaphore, #tpu.memory_space<semaphore_mem>>)
      %dma_wait3A_42 = tpu.memref_slice %arg2[%multiple_of3A] : memref<800000xi32, #tpu.memory_space<hbm>> -> memref<25000xi32, #tpu.memory_space<hbm>>
      %dma_wait3A_43 = tpu.memref_slice %arg2[%multiple_of3A] : memref<800000xi32, #tpu.memory_space<hbm>> -> memref<25000xi32, #tpu.memory_space<hbm>>
      tpu.wait_dma2 semaphore(%run_scoped3A : memref<!tpu.dma_semaphore, #tpu.memory_space<semaphore_mem>>) src(%dma_wait3A_43 : memref<25000xi32, #tpu.memory_space<hbm>>) dst(%arg11 : memref<25000xi32, #tpu.memory_space<vmem>>)
      tpu.yield
    }) : () -> ()
    "tpu.region"() ({
      %run_scoped3A = tpu.sem_alloc : memref<!tpu.dma_semaphore, #tpu.memory_space<semaphore_mem>>
      %dma_start3A_40 = tpu.memref_slice %arg3[%multiple_of3A] : memref<800000xi32, #tpu.memory_space<hbm>> -> memref<25000xi32, #tpu.memory_space<hbm>>
      %dma_start3A_41 = tpu.memref_slice %arg3[%multiple_of3A] : memref<800000xi32, #tpu.memory_space<hbm>> -> memref<25000xi32, #tpu.memory_space<hbm>>
      tpu.enqueue_dma source(%dma_start3A_41 : memref<25000xi32, #tpu.memory_space<hbm>>) target(%arg12 : memref<25000xi32, #tpu.memory_space<vmem>>) target_semaphore(%run_scoped3A : memref<!tpu.dma_semaphore, #tpu.memory_space<semaphore_mem>>)
      %dma_wait3A_42 = tpu.memref_slice %arg3[%multiple_of3A] : memref<800000xi32, #tpu.memory_space<hbm>> -> memref<25000xi32, #tpu.memory_space<hbm>>
      %dma_wait3A_43 = tpu.memref_slice %arg3[%multiple_of3A] : memref<800000xi32, #tpu.memory_space<hbm>> -> memref<25000xi32, #tpu.memory_space<hbm>>
      tpu.wait_dma2 semaphore(%run_scoped3A : memref<!tpu.dma_semaphore, #tpu.memory_space<semaphore_mem>>) src(%dma_wait3A_43 : memref<25000xi32, #tpu.memory_space<hbm>>) dst(%arg12 : memref<25000xi32, #tpu.memory_space<vmem>>)
      tpu.yield
    }) : () -> ()
    %dma_start3A = arith.constant 0 : i32
    %dma_start3A_16 = tpu.memref_slice %arg19[%dma_start3A] : memref<50176xf32, #tpu.memory_space<vmem_shared>> -> memref<50176xf32, #tpu.memory_space<vmem_shared>>
    tpu.enqueue_indirect_dma source(%dma_start3A_16 : memref<50176xf32, #tpu.memory_space<vmem_shared>>) target(%arg13 : memref<25000xf32, #tpu.memory_space<vmem>>) offsets(%arg11 : memref<25000xi32, #tpu.memory_space<vmem>>) semaphore(%arg21 : memref<!tpu.dma_semaphore, #tpu.memory_space<semaphore_mem>>)
    %dma_wait3A = arith.constant 0 : i32
    %dma_wait3A_17 = tpu.memref_slice %arg19[%dma_wait3A] : memref<50176xf32, #tpu.memory_space<vmem_shared>> -> memref<50176xf32, #tpu.memory_space<vmem_shared>>
    tpu.wait_indirect_dma semaphore(%arg21 : memref<!tpu.dma_semaphore, #tpu.memory_space<semaphore_mem>>) src(%dma_wait3A_17 : memref<50176xf32, #tpu.memory_space<vmem_shared>>) dst(%arg13 : memref<25000xf32, #tpu.memory_space<vmem>>)
    %scan3A_18 = arith.constant 0 : i32
    %scan3A_19 = arith.constant 0 : i32
    %scan3A_20 = arith.constant 1562 : i32
    %scan3A_21 = arith.addi %scan3A_19, %scan3A_20 : i32
    %scan3A_22 = arith.constant 1 : i32
    scf.for %scan3A_40 = %scan3A_19 to %scan3A_21 step %scan3A_22  : i32 {
      %mul3A_41 = arith.constant 16 : i32
      %mul3A_42 = arith.muli %scan3A_40, %mul3A_41 : i32
      %get3A_43 = arith.index_cast %mul3A_42 : i32 to index
      %get3A_44 = tpu.vector_load %arg13[%get3A_43] {strides = array<i32>} : memref<25000xf32, #tpu.memory_space<vmem>>, vector<16xf32>,
      %get3A_45 = arith.index_cast %mul3A_42 : i32 to index
      %get3A_46 = tpu.vector_load %arg12[%get3A_45] {strides = array<i32>} : memref<25000xi32, #tpu.memory_space<vmem>>, vector<16xi32>,
      %lt3A_47 = arith.constant 0.000000e+00 : f32
      %lt3A_48 = vector.broadcast %lt3A_47 : f32 to vector<16xf32>
      %lt3A_49 = arith.cmpf olt, %get3A_44, %lt3A_48 : vector<16xf32>
      %jit3A_50 = arith.constant 50176 : i32
      %jit3A_51 = arith.constant 0 : i32
      %broadcast_in_dim3A_52 = vector.broadcast %jit3A_50 : i32 to vector<16xi32>
      %broadcast_in_dim3A_53 = vector.broadcast %jit3A_51 : i32 to vector<16xi32>
      %select_n3A_54 = arith.select %lt3A_49, %broadcast_in_dim3A_52, %broadcast_in_dim3A_53 : vector<16xi1>, vector<16xi32>
      %add3A_55 = arith.addi %get3A_46, %select_n3A_54 : vector<16xi32>
      %swap3A_56 = arith.index_cast %mul3A_42 : i32 to index
      %swap3A_57 = tpu.vector_load %arg12[%swap3A_56] {strides = array<i32>} : memref<25000xi32, #tpu.memory_space<vmem>>, vector<16xi32>,
      tpu.vector_store %arg12[%swap3A_56], %add3A_55 {strides = array<i32>} : memref<25000xi32, #tpu.memory_space<vmem>>, vector<16xi32>,
      %abs3A_58 = math.absf %get3A_44 : vector<16xf32>
      %swap3A_59 = arith.index_cast %mul3A_42 : i32 to index
      %swap3A_60 = tpu.vector_load %arg13[%swap3A_59] {strides = array<i32>} : memref<25000xf32, #tpu.memory_space<vmem>>, vector<16xf32>,
      tpu.vector_store %arg13[%swap3A_59], %abs3A_58 {strides = array<i32>} : memref<25000xf32, #tpu.memory_space<vmem>>, vector<16xf32>,
    }
    %scan3A_23 = arith.constant 1562 : i32
    %get3A = arith.constant 24984 : index
    %get3A_24 = tpu.vector_load %arg13[%get3A] {strides = array<i32>} : memref<25000xf32, #tpu.memory_space<vmem>>, vector<16xf32>,
    %get3A_25 = arith.constant 24984 : index
    %get3A_26 = tpu.vector_load %arg12[%get3A_25] {strides = array<i32>} : memref<25000xi32, #tpu.memory_space<vmem>>, vector<16xi32>,
    %lt3A = arith.constant 0.000000e+00 : f32
    %lt3A_27 = vector.broadcast %lt3A : f32 to vector<16xf32>
    %lt3A_28 = arith.cmpf olt, %get3A_24, %lt3A_27 : vector<16xf32>
    %jit3A = arith.constant 50176 : i32
    %jit3A_29 = arith.constant 0 : i32
    %broadcast_in_dim3A = vector.broadcast %jit3A : i32 to vector<16xi32>
    %broadcast_in_dim3A_30 = vector.broadcast %jit3A_29 : i32 to vector<16xi32>
    %select_n3A = arith.select %lt3A_28, %broadcast_in_dim3A, %broadcast_in_dim3A_30 : vector<16xi1>, vector<16xi32>
    %add3A_31 = arith.addi %get3A_26, %select_n3A : vector<16xi32>
    %swap3A = arith.constant 24984 : index
    %swap3A_32 = tpu.vector_load %arg12[%swap3A] {strides = array<i32>} : memref<25000xi32, #tpu.memory_space<vmem>>, vector<16xi32>,
    tpu.vector_store %arg12[%swap3A], %add3A_31 {strides = array<i32>} : memref<25000xi32, #tpu.memory_space<vmem>>, vector<16xi32>,
    %abs3A = math.absf %get3A_24 : vector<16xf32>
    %swap3A_33 = arith.constant 24984 : index
    %swap3A_34 = tpu.vector_load %arg13[%swap3A_33] {strides = array<i32>} : memref<25000xf32, #tpu.memory_space<vmem>>, vector<16xf32>,
    tpu.vector_store %arg13[%swap3A_33], %abs3A {strides = array<i32>} : memref<25000xf32, #tpu.memory_space<vmem>>, vector<16xf32>,
    "tpu.region"() ({
      %run_scoped3A = tpu.sem_alloc : memref<!tpu.dma_semaphore, #tpu.memory_space<semaphore_mem>>
      %dma_start3A_40 = arith.constant 0 : i32
      %dma_start3A_41 = tpu.memref_slice %arg20[%dma_start3A_40] : memref<100352xf32, #tpu.memory_space<vmem_shared>> -> memref<100352xf32, #tpu.memory_space<vmem_shared>>
      tpu.enqueue_indirect_dma source(%arg13 : memref<25000xf32, #tpu.memory_space<vmem>>) target(%dma_start3A_41 : memref<100352xf32, #tpu.memory_space<vmem_shared>>) offsets(%arg12 : memref<25000xi32, #tpu.memory_space<vmem>>) semaphore(%run_scoped3A : memref<!tpu.dma_semaphore, #tpu.memory_space<semaphore_mem>>) {add = true}
      %dma_wait3A_42 = arith.constant 0 : i32
      %dma_wait3A_43 = tpu.memref_slice %arg20[%dma_wait3A_42] : memref<100352xf32, #tpu.memory_space<vmem_shared>> -> memref<100352xf32, #tpu.memory_space<vmem_shared>>
      tpu.wait_indirect_dma semaphore(%run_scoped3A : memref<!tpu.dma_semaphore, #tpu.memory_space<semaphore_mem>>) src(%arg13 : memref<25000xf32, #tpu.memory_space<vmem>>) dst(%dma_wait3A_43 : memref<100352xf32, #tpu.memory_space<vmem_shared>>)
      tpu.yield
    }) : () -> ()
    %barrier3A_35 = arith.constant 0 : index
    tpu.barrier barrier_id(%barrier3A_35)
    %mul3A_36 = arith.constant 2 : i32
    %mul3A_37 = arith.muli %arg1, %mul3A_36 : i32
    %mul3A_38 = arith.constant 3136 : i32
    %mul3A_39 = arith.muli %mul3A_37, %mul3A_38 : i32
    "tpu.region"() ({
      %run_scoped3A = tpu.sem_alloc : memref<!tpu.dma_semaphore, #tpu.memory_space<semaphore_mem>>
      %dma_start3A_40 = tpu.memref_slice %arg20[%mul3A_39] : memref<100352xf32, #tpu.memory_space<vmem_shared>> -> memref<6272xf32, #tpu.memory_space<vmem_shared>>
      %dma_start3A_41 = tpu.memref_slice %arg20[%mul3A_39] : memref<100352xf32, #tpu.memory_space<vmem_shared>> -> memref<6272xf32, #tpu.memory_space<vmem_shared>>
      tpu.enqueue_dma source(%dma_start3A_41 : memref<6272xf32, #tpu.memory_space<vmem_shared>>) target(%arg18 : memref<6272xf32, #tpu.memory_space<vmem>>) target_semaphore(%run_scoped3A : memref<!tpu.dma_semaphore, #tpu.memory_space<semaphore_mem>>)
      %dma_wait3A_42 = tpu.memref_slice %arg20[%mul3A_39] : memref<100352xf32, #tpu.memory_space<vmem_shared>> -> memref<6272xf32, #tpu.memory_space<vmem_shared>>
      %dma_wait3A_43 = tpu.memref_slice %arg20[%mul3A_39] : memref<100352xf32, #tpu.memory_space<vmem_shared>> -> memref<6272xf32, #tpu.memory_space<vmem_shared>>
      tpu.wait_dma2 semaphore(%run_scoped3A : memref<!tpu.dma_semaphore, #tpu.memory_space<semaphore_mem>>) src(%dma_wait3A_43 : memref<6272xf32, #tpu.memory_space<vmem_shared>>) dst(%arg18 : memref<6272xf32, #tpu.memory_space<vmem>>)
      tpu.yield
    }) : () -> ()
    "tpu.region"() ({
      %run_scoped3A = tpu.sem_alloc : memref<!tpu.dma_semaphore, #tpu.memory_space<semaphore_mem>>
      %dma_start3A_40 = arith.constant 0 : i32
      %dma_start3A_41 = tpu.memref_slice %arg9[%arg0, %arg1, %dma_start3A_40] : memref<2x16x6272xf32, #tpu.memory_space<hbm>> -> memref<1x1x6272xf32, #tpu.memory_space<hbm>>
      %dma_start3A_42 = tpu.memref_squeeze %dma_start3A_41 : memref<1x1x6272xf32, #tpu.memory_space<hbm>> -> memref<6272xf32, #tpu.memory_space<hbm>>
      %dma_start3A_43 = arith.constant 0 : i32
      %dma_start3A_44 = tpu.memref_slice %arg9[%arg0, %arg1, %dma_start3A_43] : memref<2x16x6272xf32, #tpu.memory_space<hbm>> -> memref<1x1x6272xf32, #tpu.memory_space<hbm>>
      %dma_start3A_45 = tpu.memref_squeeze %dma_start3A_44 : memref<1x1x6272xf32, #tpu.memory_space<hbm>> -> memref<6272xf32, #tpu.memory_space<hbm>>
      tpu.enqueue_dma source(%arg18 : memref<6272xf32, #tpu.memory_space<vmem>>) target(%dma_start3A_45 : memref<6272xf32, #tpu.memory_space<hbm>>) target_semaphore(%run_scoped3A : memref<!tpu.dma_semaphore, #tpu.memory_space<semaphore_mem>>)
      %dma_wait3A_46 = arith.constant 0 : i32
      %dma_wait3A_47 = tpu.memref_slice %arg9[%arg0, %arg1, %dma_wait3A_46] : memref<2x16x6272xf32, #tpu.memory_space<hbm>> -> memref<1x1x6272xf32, #tpu.memory_space<hbm>>
      %dma_wait3A_48 = tpu.memref_squeeze %dma_wait3A_47 : memref<1x1x6272xf32, #tpu.memory_space<hbm>> -> memref<6272xf32, #tpu.memory_space<hbm>>
      %dma_wait3A_49 = arith.constant 0 : i32
      %dma_wait3A_50 = tpu.memref_slice %arg9[%arg0, %arg1, %dma_wait3A_49] : memref<2x16x6272xf32, #tpu.memory_space<hbm>> -> memref<1x1x6272xf32, #tpu.memory_space<hbm>>
      %dma_wait3A_51 = tpu.memref_squeeze %dma_wait3A_50 : memref<1x1x6272xf32, #tpu.memory_space<hbm>> -> memref<6272xf32, #tpu.memory_space<hbm>>
      tpu.wait_dma2 semaphore(%run_scoped3A : memref<!tpu.dma_semaphore, #tpu.memory_space<semaphore_mem>>) src(%arg18 : memref<6272xf32, #tpu.memory_space<vmem>>) dst(%dma_wait3A_51 : memref<6272xf32, #tpu.memory_space<hbm>>)
      tpu.yield
    }) : () -> ()
    return
  }
}

module attributes {stable_mosaic.version = 14 : i64} {
  func.func @_tc_headpool(%arg0: i32, %arg1: memref<1024x1xf32, #tpu.memory_space<vmem>>, %arg2: memref<1024x1xf32, #tpu.memory_space<vmem>>, %arg3: memref<1024x1xf32, #tpu.memory_space<vmem>>, %arg4: memref<1024x1xf32, #tpu.memory_space<vmem>>, %arg5: memref<1024x1xf32, #tpu.memory_space<vmem>>, %arg6: memref<1024x1xf32, #tpu.memory_space<vmem>>, %arg7: memref<1024x1xi32, #tpu.memory_space<vmem>>, %arg8: memref<64x1xf32, #tpu.memory_space<vmem>>, %arg9: memref<64x64xf32, #tpu.memory_space<vmem>>, %arg10: memref<1x64xf32, #tpu.memory_space<vmem>>, %arg11: memref<1x64xf32, #tpu.memory_space<vmem>>, %arg12: memref<1x1xf32, #tpu.memory_space<vmem>>, %arg13: memref<1x64xf32, #tpu.memory_space<vmem>>, %arg14: memref<64x64xf32, #tpu.memory_space<vmem>>, %arg15: memref<64x64xf32, #tpu.memory_space<vmem>>) attributes {dimension_semantics = [#tpu.dimension_semantics<arbitrary>], iteration_bounds = array<i64: 49>, scalar_prefetch = 0 : i64, scratch_operands = 2 : i64, tpu.core_type = #tpu.core_type<tc>, window_params = [{transform_indices = @transform_0, window_bounds = array<i64: 1024, 1>}, {transform_indices = @transform_1, window_bounds = array<i64: 1024, 1>}, {transform_indices = @transform_2, window_bounds = array<i64: 1024, 1>}, {transform_indices = @transform_3, window_bounds = array<i64: 1024, 1>}, {transform_indices = @transform_4, window_bounds = array<i64: 1024, 1>}, {transform_indices = @transform_5, window_bounds = array<i64: 1024, 1>}, {transform_indices = @transform_6, window_bounds = array<i64: 1024, 1>}, {pipeline_mode = #tpu.pipeline_mode<synchronous>, transform_indices = @transform_7, window_bounds = array<i64: 64, 1>}, {pipeline_mode = #tpu.pipeline_mode<synchronous>, transform_indices = @transform_8, window_bounds = array<i64: 64, 64>}, {pipeline_mode = #tpu.pipeline_mode<synchronous>, transform_indices = @transform_9, window_bounds = array<i64: 1, 64>}, {pipeline_mode = #tpu.pipeline_mode<synchronous>, transform_indices = @transform_10, window_bounds = array<i64: 1, 64>}, {pipeline_mode = #tpu.pipeline_mode<synchronous>, transform_indices = @transform_11, window_bounds = array<i64: 1, 1>}, {pipeline_mode = #tpu.pipeline_mode<synchronous>, transform_indices = @transform_12, window_bounds = array<i64: 1, 64>}]} {
    %eq3A = arith.constant 0 : i32
    %eq3A_0 = arith.cmpi eq, %arg0, %eq3A : i32
    %convert_element_type3A = arith.extui %eq3A_0 : i1 to i32
    %cond3A = arith.constant 0 : i32
    %cond3A_1 = arith.cmpi ne, %convert_element_type3A, %cond3A : i32
    scf.if %cond3A_1 {
      %broadcast_in_dim3A_101 = arith.constant 0.000000e+00 : f32
      %broadcast_in_dim3A_102 = vector.broadcast %broadcast_in_dim3A_101 : f32 to vector<64x64xf32>
      %swap3A_103 = arith.constant 0 : index
      %swap3A_104 = arith.constant 0 : index
      %swap3A_105 = vector.load %arg14[%swap3A_103, %swap3A_104] : memref<64x64xf32, #tpu.memory_space<vmem>>, vector<64x64xf32>
      tpu.vector_store %arg14[%swap3A_103, %swap3A_104], %broadcast_in_dim3A_102 {strides = array<i32>} : memref<64x64xf32, #tpu.memory_space<vmem>>, vector<64x64xf32>,
      %broadcast_in_dim3A_106 = arith.constant 0.000000e+00 : f32
      %broadcast_in_dim3A_107 = vector.broadcast %broadcast_in_dim3A_106 : f32 to vector<64x64xf32>
      %swap3A_108 = arith.constant 0 : index
      %swap3A_109 = arith.constant 0 : index
      %swap3A_110 = vector.load %arg15[%swap3A_108, %swap3A_109] : memref<64x64xf32, #tpu.memory_space<vmem>>, vector<64x64xf32>
      tpu.vector_store %arg15[%swap3A_108, %swap3A_109], %broadcast_in_dim3A_107 {strides = array<i32>} : memref<64x64xf32, #tpu.memory_space<vmem>>, vector<64x64xf32>,
    } else {
    }
    %get3A = arith.constant 0 : index
    %get3A_2 = arith.constant 0 : index
    %get3A_3 = vector.load %arg8[%get3A, %get3A_2] : memref<64x1xf32, #tpu.memory_space<vmem>>, vector<64x1xf32>
    %get3A_4 = arith.constant 0 : index
    %get3A_5 = arith.constant 0 : index
    %get3A_6 = vector.load %arg9[%get3A_4, %get3A_5] : memref<64x64xf32, #tpu.memory_space<vmem>>, vector<64x64xf32>
    %convert_element_type3A_7 = arith.truncf %get3A_6 : vector<64x64xf32> to vector<64x64xbf16>
    %convert_element_type3A_8 = arith.extf %convert_element_type3A_7 : vector<64x64xbf16> to vector<64x64xf32>
    %max3A = arith.constant 0.000000e+00 : f32
    %max3A_9 = vector.broadcast %max3A : f32 to vector<64x1xf32>
    %max3A_10 = arith.maximumf %get3A_3, %max3A_9 : vector<64x1xf32>
    %mul3A = vector.broadcast %max3A_10 : vector<64x1xf32> to vector<64x64xf32>
    %mul3A_11 = arith.mulf %mul3A, %convert_element_type3A_8 : vector<64x64xf32>
    %reduce_sum3A = arith.constant dense<0.000000e+00> : vector<64xf32>
    %reduce_sum3A_12 = vector.multi_reduction <add>, %mul3A_11, %reduce_sum3A [0] : vector<64x64xf32> to vector<64xf32>
    %broadcast_in_dim3A = vector.shape_cast %reduce_sum3A_12 : vector<64xf32> to vector<1x64xf32>
    %neg3A = arith.constant 0.000000e+00 : f32
    %neg3A_13 = vector.broadcast %neg3A : f32 to vector<64x1xf32>
    %neg3A_14 = arith.subf %neg3A_13, %get3A_3 : vector<64x1xf32>
    %max3A_15 = arith.constant 0.000000e+00 : f32
    %max3A_16 = vector.broadcast %max3A_15 : f32 to vector<64x1xf32>
    %max3A_17 = arith.maximumf %neg3A_14, %max3A_16 : vector<64x1xf32>
    %mul3A_18 = vector.broadcast %max3A_17 : vector<64x1xf32> to vector<64x64xf32>
    %mul3A_19 = arith.mulf %mul3A_18, %convert_element_type3A_8 : vector<64x64xf32>
    %reduce_sum3A_20 = arith.constant dense<0.000000e+00> : vector<64xf32>
    %reduce_sum3A_21 = vector.multi_reduction <add>, %mul3A_19, %reduce_sum3A_20 [0] : vector<64x64xf32> to vector<64xf32>
    %broadcast_in_dim3A_22 = vector.shape_cast %reduce_sum3A_21 : vector<64xf32> to vector<1x64xf32>
    %get3A_23 = arith.constant 0 : index
    %get3A_24 = arith.constant 0 : index
    %get3A_25 = vector.load %arg6[%get3A_23, %get3A_24] : memref<1024x1xf32, #tpu.memory_space<vmem>>, vector<1024x1xf32>
    %get3A_26 = arith.constant 0 : index
    %get3A_27 = arith.constant 0 : index
    %get3A_28 = vector.load %arg5[%get3A_26, %get3A_27] : memref<1024x1xf32, #tpu.memory_space<vmem>>, vector<1024x1xf32>
    %get3A_29 = arith.constant 0 : index
    %get3A_30 = arith.constant 0 : index
    %get3A_31 = vector.load %arg1[%get3A_29, %get3A_30] : memref<1024x1xf32, #tpu.memory_space<vmem>>, vector<1024x1xf32>
    %get3A_32 = arith.constant 0 : index
    %get3A_33 = arith.constant 0 : index
    %get3A_34 = vector.load %arg3[%get3A_32, %get3A_33] : memref<1024x1xf32, #tpu.memory_space<vmem>>, vector<1024x1xf32>
    %add3A = arith.addf %get3A_31, %get3A_34 : vector<1024x1xf32>
    %max3A_35 = arith.constant 0.000000e+00 : f32
    %max3A_36 = vector.broadcast %max3A_35 : f32 to vector<1024x1xf32>
    %max3A_37 = arith.maximumf %get3A_28, %max3A_36 : vector<1024x1xf32>
    %add3A_38 = arith.addf %add3A, %max3A_37 : vector<1024x1xf32>
    %mul3A_39 = arith.mulf %get3A_25, %add3A_38 : vector<1024x1xf32>
    %get3A_40 = arith.constant 0 : index
    %get3A_41 = arith.constant 0 : index
    %get3A_42 = vector.load %arg2[%get3A_40, %get3A_41] : memref<1024x1xf32, #tpu.memory_space<vmem>>, vector<1024x1xf32>
    %get3A_43 = arith.constant 0 : index
    %get3A_44 = arith.constant 0 : index
    %get3A_45 = vector.load %arg4[%get3A_43, %get3A_44] : memref<1024x1xf32, #tpu.memory_space<vmem>>, vector<1024x1xf32>
    %add3A_46 = arith.addf %get3A_42, %get3A_45 : vector<1024x1xf32>
    %neg3A_47 = arith.constant 0.000000e+00 : f32
    %neg3A_48 = vector.broadcast %neg3A_47 : f32 to vector<1024x1xf32>
    %neg3A_49 = arith.subf %neg3A_48, %get3A_28 : vector<1024x1xf32>
    %max3A_50 = arith.constant 0.000000e+00 : f32
    %max3A_51 = vector.broadcast %max3A_50 : f32 to vector<1024x1xf32>
    %max3A_52 = arith.maximumf %neg3A_49, %max3A_51 : vector<1024x1xf32>
    %add3A_53 = arith.addf %add3A_46, %max3A_52 : vector<1024x1xf32>
    %mul3A_54 = arith.mulf %get3A_25, %add3A_53 : vector<1024x1xf32>
    %mul3A_55 = vector.broadcast %mul3A_39 : vector<1024x1xf32> to vector<1024x64xf32>
    %mul3A_56 = vector.broadcast %broadcast_in_dim3A : vector<1x64xf32> to vector<1024x64xf32>
    %mul3A_57 = arith.mulf %mul3A_55, %mul3A_56 : vector<1024x64xf32>
    %mul3A_58 = vector.broadcast %mul3A_54 : vector<1024x1xf32> to vector<1024x64xf32>
    %mul3A_59 = vector.broadcast %broadcast_in_dim3A_22 : vector<1x64xf32> to vector<1024x64xf32>
    %mul3A_60 = arith.mulf %mul3A_58, %mul3A_59 : vector<1024x64xf32>
    %add3A_61 = arith.addf %mul3A_57, %mul3A_60 : vector<1024x64xf32>
    %get3A_62 = arith.constant 0 : index
    %get3A_63 = arith.constant 0 : index
    %get3A_64 = vector.load %arg10[%get3A_62, %get3A_63] : memref<1x64xf32, #tpu.memory_space<vmem>>, vector<1x64xf32>
    %add3A_65 = vector.broadcast %get3A_64 : vector<1x64xf32> to vector<1024x64xf32>
    %add3A_66 = arith.addf %add3A_61, %add3A_65 : vector<1024x64xf32>
    %max3A_67 = arith.constant 0.000000e+00 : f32
    %max3A_68 = vector.broadcast %max3A_67 : f32 to vector<1024x64xf32>
    %max3A_69 = arith.maximumf %add3A_66, %max3A_68 : vector<1024x64xf32>
    %iota3A = tpu.iota {dimensions = array<i32: 1>} : vector<1x64xi32>
    %get3A_70 = arith.constant 0 : index
    %get3A_71 = arith.constant 0 : index
    %get3A_72 = vector.load %arg7[%get3A_70, %get3A_71] : memref<1024x1xi32, #tpu.memory_space<vmem>>, vector<1024x1xi32>
    %eq3A_73 = vector.broadcast %get3A_72 : vector<1024x1xi32> to vector<1024x64xi32>
    %eq3A_74 = vector.broadcast %iota3A : vector<1x64xi32> to vector<1024x64xi32>
    %eq3A_75 = arith.cmpi eq, %eq3A_73, %eq3A_74 : vector<1024x64xi32>
    %convert_element_type3A_76 = arith.extui %eq3A_75 : vector<1024x64xi1> to vector<1024x64xi32>
    %convert_element_type3A_77 = arith.sitofp %convert_element_type3A_76 : vector<1024x64xi32> to vector<1024x64xf32>
    %get3A_78 = arith.constant 0 : index
    %get3A_79 = arith.constant 0 : index
    %get3A_80 = vector.load %arg14[%get3A_78, %get3A_79] : memref<64x64xf32, #tpu.memory_space<vmem>>, vector<64x64xf32>
    %dot_general3A = arith.constant dense<0.000000e+00> : vector<64x64xf32>
    %dot_general3A_81 = tpu.matmul %max3A_69, %convert_element_type3A_77, %dot_general3A {dimension_numbers = #tpu.dot_dimension_numbers<[0], [0], [1], [1], [0, 1, 1, 1], [], []>, precision = #tpu.contract_precision<fp32>, transpose_lhs_hint = false} : vector<1024x64xf32>, vector<1024x64xf32>, vector<64x64xf32> -> vector<64x64xf32>
    %add3A_82 = arith.addf %get3A_80, %dot_general3A_81 : vector<64x64xf32>
    %swap3A = arith.constant 0 : index
    %swap3A_83 = arith.constant 0 : index
    %swap3A_84 = vector.load %arg14[%swap3A, %swap3A_83] : memref<64x64xf32, #tpu.memory_space<vmem>>, vector<64x64xf32>
    tpu.vector_store %arg14[%swap3A, %swap3A_83], %add3A_82 {strides = array<i32>} : memref<64x64xf32, #tpu.memory_space<vmem>>, vector<64x64xf32>,
    %get3A_85 = arith.constant 0 : index
    %get3A_86 = arith.constant 0 : index
    %get3A_87 = vector.load %arg15[%get3A_85, %get3A_86] : memref<64x64xf32, #tpu.memory_space<vmem>>, vector<64x64xf32>
    %broadcast_in_dim3A_88 = arith.constant 1.000000e+00 : f32
    %broadcast_in_dim3A_89 = vector.broadcast %broadcast_in_dim3A_88 : f32 to vector<1024x64xf32>
    %dot_general3A_90 = arith.constant dense<0.000000e+00> : vector<64x64xf32>
    %dot_general3A_91 = tpu.matmul %broadcast_in_dim3A_89, %convert_element_type3A_77, %dot_general3A_90 {dimension_numbers = #tpu.dot_dimension_numbers<[0], [0], [1], [1], [0, 1, 1, 1], [], []>, precision = #tpu.contract_precision<fp32>, transpose_lhs_hint = false} : vector<1024x64xf32>, vector<1024x64xf32>, vector<64x64xf32> -> vector<64x64xf32>
    %add3A_92 = arith.addf %get3A_87, %dot_general3A_91 : vector<64x64xf32>
    %swap3A_93 = arith.constant 0 : index
    %swap3A_94 = arith.constant 0 : index
    %swap3A_95 = vector.load %arg15[%swap3A_93, %swap3A_94] : memref<64x64xf32, #tpu.memory_space<vmem>>, vector<64x64xf32>
    tpu.vector_store %arg15[%swap3A_93, %swap3A_94], %add3A_92 {strides = array<i32>} : memref<64x64xf32, #tpu.memory_space<vmem>>, vector<64x64xf32>,
    %eq3A_96 = arith.constant 48 : i32
    %eq3A_97 = arith.cmpi eq, %arg0, %eq3A_96 : i32
    %convert_element_type3A_98 = arith.extui %eq3A_97 : i1 to i32
    %cond3A_99 = arith.constant 0 : i32
    %cond3A_100 = arith.cmpi ne, %convert_element_type3A_98, %cond3A_99 : i32
    scf.if %cond3A_100 {
      %get3A_101 = arith.constant 0 : index
      %get3A_102 = arith.constant 0 : index
      %get3A_103 = vector.load %arg14[%get3A_101, %get3A_102] : memref<64x64xf32, #tpu.memory_space<vmem>>, vector<64x64xf32>
      %get3A_104 = arith.constant 0 : index
      %get3A_105 = arith.constant 0 : index
      %get3A_106 = vector.load %arg15[%get3A_104, %get3A_105] : memref<64x64xf32, #tpu.memory_space<vmem>>, vector<64x64xf32>
      %max3A_107 = arith.constant 1.000000e+00 : f32
      %max3A_108 = vector.broadcast %max3A_107 : f32 to vector<64x64xf32>
      %max3A_109 = arith.maximumf %get3A_106, %max3A_108 : vector<64x64xf32>
      %div3A = arith.divf %get3A_103, %max3A_109 : vector<64x64xf32>
      %get3A_110 = arith.constant 0 : index
      %get3A_111 = arith.constant 0 : index
      %get3A_112 = vector.load %arg11[%get3A_110, %get3A_111] : memref<1x64xf32, #tpu.memory_space<vmem>>, vector<1x64xf32>
      %convert_element_type3A_113 = arith.truncf %get3A_112 : vector<1x64xf32> to vector<1x64xbf16>
      %convert_element_type3A_114 = arith.extf %convert_element_type3A_113 : vector<1x64xbf16> to vector<1x64xf32>
      %convert_element_type3A_115 = arith.truncf %div3A : vector<64x64xf32> to vector<64x64xbf16>
      %convert_element_type3A_116 = arith.extf %convert_element_type3A_115 : vector<64x64xbf16> to vector<64x64xf32>
      %dot_general3A_117 = arith.constant dense<0.000000e+00> : vector<1x64xf32>
      %dot_general3A_118 = tpu.matmul %convert_element_type3A_114, %convert_element_type3A_116, %dot_general3A_117 {dimension_numbers = #tpu.dot_dimension_numbers<[1], [0], [0], [1], [0, 0, 1, 1], [], []>, precision = #tpu.contract_precision<fp32>, transpose_lhs_hint = false} : vector<1x64xf32>, vector<64x64xf32>, vector<1x64xf32> -> vector<1x64xf32>
      %get3A_119 = arith.constant 0 : index
      %get3A_120 = arith.constant 0 : index
      %get3A_121 = vector.load %arg12[%get3A_119, %get3A_120] : memref<1x1xf32, #tpu.memory_space<vmem>>, vector<1x1xf32>
      %add3A_122 = vector.broadcast %get3A_121 : vector<1x1xf32> to vector<1x64xf32>
      %add3A_123 = arith.addf %dot_general3A_118, %add3A_122 : vector<1x64xf32>
      %swap3A_124 = arith.constant 0 : index
      %swap3A_125 = arith.constant 0 : index
      %swap3A_126 = vector.load %arg13[%swap3A_124, %swap3A_125] : memref<1x64xf32, #tpu.memory_space<vmem>>, vector<1x64xf32>
      tpu.vector_store %arg13[%swap3A_124, %swap3A_125], %add3A_123 {strides = array<i32>} : memref<1x64xf32, #tpu.memory_space<vmem>>, vector<1x64xf32>,
    } else {
    }
    return
  }
  func.func @transform_0(%arg0: i32) -> (i32, i32) {
    %c0_i32 = arith.constant 0 : i32
    %c0_i32_0 = arith.constant 0 : i32
    return %arg0, %c0_i32 : i32, i32
  }
  func.func @transform_1(%arg0: i32) -> (i32, i32) {
    %c0_i32 = arith.constant 0 : i32
    %c0_i32_0 = arith.constant 0 : i32
    return %arg0, %c0_i32 : i32, i32
  }
  func.func @transform_2(%arg0: i32) -> (i32, i32) {
    %c0_i32 = arith.constant 0 : i32
    %c0_i32_0 = arith.constant 0 : i32
    return %arg0, %c0_i32 : i32, i32
  }
  func.func @transform_3(%arg0: i32) -> (i32, i32) {
    %c0_i32 = arith.constant 0 : i32
    %c0_i32_0 = arith.constant 0 : i32
    return %arg0, %c0_i32 : i32, i32
  }
  func.func @transform_4(%arg0: i32) -> (i32, i32) {
    %c0_i32 = arith.constant 0 : i32
    %c0_i32_0 = arith.constant 0 : i32
    return %arg0, %c0_i32 : i32, i32
  }
  func.func @transform_5(%arg0: i32) -> (i32, i32) {
    %c0_i32 = arith.constant 0 : i32
    %c0_i32_0 = arith.constant 0 : i32
    return %arg0, %c0_i32 : i32, i32
  }
  func.func @transform_6(%arg0: i32) -> (i32, i32) {
    %c0_i32 = arith.constant 0 : i32
    %c0_i32_0 = arith.constant 0 : i32
    return %arg0, %c0_i32 : i32, i32
  }
  func.func @transform_7(%arg0: i32) -> (i32, i32) {
    %c0_i32 = arith.constant 0 : i32
    %c0_i32_0 = arith.constant 0 : i32
    %c0_i32_1 = arith.constant 0 : i32
    return %c0_i32, %c0_i32_0 : i32, i32
  }
  func.func @transform_8(%arg0: i32) -> (i32, i32) {
    %c0_i32 = arith.constant 0 : i32
    %c0_i32_0 = arith.constant 0 : i32
    %c0_i32_1 = arith.constant 0 : i32
    return %c0_i32, %c0_i32_0 : i32, i32
  }
  func.func @transform_9(%arg0: i32) -> (i32, i32) {
    %c0_i32 = arith.constant 0 : i32
    %c0_i32_0 = arith.constant 0 : i32
    %c0_i32_1 = arith.constant 0 : i32
    return %c0_i32, %c0_i32_0 : i32, i32
  }
  func.func @transform_10(%arg0: i32) -> (i32, i32) {
    %c0_i32 = arith.constant 0 : i32
    %c0_i32_0 = arith.constant 0 : i32
    %c0_i32_1 = arith.constant 0 : i32
    return %c0_i32, %c0_i32_0 : i32, i32
  }
  func.func @transform_11(%arg0: i32) -> (i32, i32) {
    %c0_i32 = arith.constant 0 : i32
    %c0_i32_0 = arith.constant 0 : i32
    %c0_i32_1 = arith.constant 0 : i32
    return %c0_i32, %c0_i32_0 : i32, i32
  }
  func.func @transform_12(%arg0: i32) -> (i32, i32) {
    %c0_i32 = arith.constant 0 : i32
    %c0_i32_0 = arith.constant 0 : i32
    %c0_i32_1 = arith.constant 0 : i32
    return %c0_i32, %c0_i32_0 : i32, i32
  }
}

</mosaic_0001>

<sc_bundles>
// kernel: kernel.12.cloned.1.call-start
scs
__scs_entry_jumppad:
0x0: {  	(pc) =	sbr.rel $0x88, $3  }
0x1: {  	(tag) =	ssettag $0x0;
	lr =	simm.s32 $0x1  }
0x2: {  	[smem:$0x3F99] =	sst lr;
	_ =	strace $0xD0000000  }
0x3: {  	_ = 	snop  }
0x4: {  	_ = 	snop  }
0x5: {  	_ = 	snop  }
0x6: {  	_ = 	snop  }
0x7: {  	_ = 	snop  }
__scs_overlays_trampoline_lowered:
0x8: {  	[smem:$0x3FA8] =	sst s0  }
0x9: {  	[smem:$0x3FA9] =	sst s1  }
0xa: {  	[smem:$0x3FAA] =	sst s2  }
0xb: {  	[smem:$0x3FAB] =	sst s3  }
0xc: {  	[smem:$0x3FAC] =	sst s4  }
0xd: {  	[smem:$0x3FAD] =	sst s5  }
0xe: {  	[smem:$0x3FAE] =	sst s6  }
0xf: {  	[smem:$0x3FAF] =	sst s7  }
0x10: {  	[smem:$0x3FB0] =	sst s8  }
0x11: {  	[smem:$0x3FB1] =	sst s9;
	s0 =	simm.s32 @!p0 $0x0  }
0x12: {  	s1 =	sld [smem:$0x3F97];
	s0 =	simm.s32 @p0 $0x1  }
0x13: {  	[smem:$0x3FB2] =	sst s0;
	s0 =	simm.s32 @!p1 $0x0  }
0x14: {  	s2 =	sld [smem:$0x3F96];
	s0 =	simm.s32 @p1 $0x1  }
0x15: {  	[smem:$0x3FB3] =	sst s0;
	s0 =	simm.s32 @!p2 $0x0  }
0x16: {  	s3 =	sld [smem:$0x3FDB];
	s0 =	simm.s32 @p2 $0x1  }
0x17: {  	s4 =	simm.s32 $0x1BF5;
	[smem:$0x3FB5] =	sst s0  }
0x18: {  	s0 =	sld [smem:$0x3F98];
	_ =	swait.ge [sflag:s4], $0x0  }
0x19: {  	s7 =	sld [smem:$0x3F99]  }
0x1a: {  	s8 =	sadd.s32 $0xFFFFE003, lr  }
0x1b: {  	s9 =	sadd.s32 $0xFFFFFEF7, lr;
	s5 =	simm.s32 $0xFFFFFFFF;
	p2 =	slt.u32 s8, $0xFFFFF086  }
0x1c: {  	p1 =	slt.u32 s9, $0xF7A;
	s5 =	simm.s32 @!p2 $0x0  }
0x1d: {  	s5 =	simm.s32 @p1 $0x1;
	p0 =	seq.s32 s7, s2  }
0x1e: {  	s7 =	smul.u32 @!p0 $0xF7A, s2;
	p2 =	seq.s32 @!p0 s5, $0x0  }
0x1f: {  	s9 =	smul.u32 $0xF7A, s1;
	s8 =	simm.s32 @!p0 $0x1BF5;
	p2 =	por !p2, p0  }
0x20: {  	[sflag:s8] =	ssyncset.s32 @!p0 $0xFFFFF086;
	s6 =	sadd.s32 @!p0 s3, s7;
	s7 =	simm.s32 @!p0 $0x108  }
0x21: {  	s3 =	sadd.s32 s3, s9;
	s6 =	sadd.s32 @!p0 $0x88, s6;
	s7 =	simm.s32 @p2 $0x1082  }
0x22: {  	[simem:s7], [sflag:s8] =	dma.local @!p0 [hbm:s6], $0xF7A  }
0x23: {  	s9 =	sor.u32 $0xD0000000, s2;
	s6 =	simm.s32 $0x108;
	_ =	swait.ge @!p0 [sflag:s8], $0x0  }
0x24: {  	s3 =	sadd.s32 $0x88, s3;
	s6 =	simm.s32 @!p1 $0x1082;
	[sflag:s4] =	ssyncset.s32 $0xFFFFF086  }
0x25: {  	[simem:s6], [sflag:s4] =	dma.local [hbm:s3], $0xF7A  }
0x26: {  	[smem:$0x3F99] =	sst s1;
	(tag) =	ssettag s2;
	_ =	strace s9  }
0x27: {  	s1 =	sld [smem:$0x3FA9]  }
0x28: {  	s2 =	sld [smem:$0x3FAA]  }
0x29: {  	s4 =	sld [smem:$0x3FAC]  }
0x2a: {  	p0 =	seq.s32 s5, $0x0;
	s5 =	sld [smem:$0x3FAD]  }
0x2b: {  	s6 =	sld [smem:$0x3FAE]  }
0x2c: {  	s7 =	sld [smem:$0x3FAF]  }
0x2d: {  	s3 =	simm.s32 $0x108;
	s8 =	sld [smem:$0x3FB0]  }
0x2e: {  	s3 =	simm.s32 @!p0 $0x1082;
	s9 =	sld [smem:$0x3FB1]  }
0x2f: {  	lr =	sadd.s32 s0, s3;
	s0 =	sld [smem:$0x3FA8]  }
0x30: {  	s3 =	sld [smem:$0x3FAB]  }
0x31: {  	[smem:$0x3FB4] =	sst s10  }
0x32: {  	s10 =	sld [smem:$0x3FB2];
	_ =	sdelay $0x3  }
0x33: {  	p0 =	seq.s32 s10, $0x1;
	s10 =	sld [smem:$0x3FB4];
	_ =	sdelay $0x3  }
0x34: {  	[smem:$0x3FB4] =	sst s10  }
0x35: {  	s10 =	sld [smem:$0x3FB3];
	_ =	sdelay $0x3  }
0x36: {  	p1 =	seq.s32 s10, $0x1;
	s10 =	sld [smem:$0x3FB4];
	_ =	sdelay $0x3  }
0x37: {  	[smem:$0x3FB4] =	sst s10  }
0x38: {  	s10 =	sld [smem:$0x3FB5]  }
0x39: {  	_ = 	snop;
	(pc) =	sbr.ind lr, $3  }
0x3a: {  	_ = 	snop  }
0x3b: {  	_ = 	snop  }
0x3c: {  	p2 =	seq.s32 s10, $0x1;
	s10 =	sld [smem:$0x3FB4]  }
0x3d: {  	_ =	shalt  }
0x3e: {  	_ =	shalt  }
0x3f: {  	_ =	shalt  }
0x40: {  	_ =	shalt  }
0x41: {  	_ =	shalt  }
0x42: {  	_ =	shalt  }
0x43: {  	_ =	shalt  }
0x44: {  	_ =	shalt  }
0x45: {  	_ =	shalt  }
0x46: {  	_ =	shalt  }
0x47: {  	_ =	shalt  }
0x48: {  	_ =	shalt  }
0x49: {  	_ =	shalt  }
0x4a: {  	_ =	shalt  }
0x4b: {  	_ =	shalt  }
0x4c: {  	_ =	shalt  }
0x4d: {  	_ =	shalt  }
0x4e: {  	_ =	shalt  }
0x4f: {  	_ =	shalt  }
0x50: {  	_ =	shalt  }
0x51: {  	_ =	shalt  }
0x52: {  	_ =	shalt  }
0x53: {  	_ =	shalt  }
0x54: {  	_ =	shalt  }
0x55: {  	_ =	shalt  }
0x56: {  	_ =	shalt  }
0x57: {  	_ =	shalt  }
0x58: {  	_ =	shalt  }
0x59: {  	_ =	shalt  }
0x5a: {  	_ =	shalt  }
0x5b: {  	_ =	shalt  }
0x5c: {  	_ =	shalt  }
0x5d: {  	_ =	shalt  }
0x5e: {  	_ =	shalt  }
0x5f: {  	_ =	shalt  }
0x60: {  	_ =	shalt  }
0x61: {  	_ =	shalt  }
0x62: {  	_ =	shalt  }
0x63: {  	_ =	shalt  }
0x64: {  	_ =	shalt  }
0x65: {  	_ =	shalt  }
0x66: {  	_ =	shalt  }
0x67: {  	_ =	shalt  }
0x68: {  	_ =	shalt  }
0x69: {  	_ =	shalt  }
0x6a: {  	_ =	shalt  }
0x6b: {  	_ =	shalt  }
0x6c: {  	_ =	shalt  }
0x6d: {  	_ =	shalt  }
0x6e: {  	_ =	shalt  }
0x6f: {  	_ =	shalt  }
0x70: {  	_ =	shalt  }
0x71: {  	_ =	shalt  }
0x72: {  	_ =	shalt  }
0x73: {  	_ =	shalt  }
0x74: {  	_ =	shalt  }
0x75: {  	_ =	shalt  }
0x76: {  	_ =	shalt  }
0x77: {  	_ =	shalt  }
0x78: {  	_ =	shalt  }
0x79: {  	_ =	shalt  }
0x7a: {  	_ =	shalt  }
0x7b: {  	_ =	shalt  }
0x7c: {  	_ =	shalt  }
0x7d: {  	_ =	shalt  }
0x7e: {  	_ =	shalt  }
0x7f: {  	_ =	shalt  }
0x80: {  	_ =	shalt  }
0x81: {  	_ =	shalt  }
0x82: {  	_ =	shalt  }
0x83: {  	_ =	shalt  }
0x84: {  	_ =	shalt  }
0x85: {  	_ =	shalt  }
0x86: {  	_ =	shalt  }
0x87: {  	_ =	shalt  }
.Lfunc_end0:
.L_simem_size_0:
called_computation.2_lowered:
.L_overlay_start_0:
0x88: {  	s2 =	sld [smem:$0x3FD9]  }
0x89: {  	s3 =	sld [smem:$0x3FFE];
	_ =	sdelay $0x1  }
0x8a: {  	s1 =	srdreg.scid  }
0x8b: {  	s0 =	sand.u32 $0x1, s1  }
0x8c: {  	s16 =	sshll.u32 s0, $0xA;
	s2 =	sadd.s32 s3, s2  }
0x8d: {  	s2 =	sadd.s32 s2, s16  }
0x8e: {  	[smem:$0x3FC0] =	sst s2  }
0x8f: {  	_ = 	snop  }
0x90: {  	(tm) =	ssettm $0x1  }
0x91: {  	s17 =	sld [smem:$0x3FFB];
	_ =	sdelay $0x3  }
0x92: {  	_ =	strace s17  }
0x93: {  	s2 =	sld [smem:$0x3FFC];
	_ =	sdelay $0x3  }
0x94: {  	_ =	strace s2  }
0x95: {  	s2 =	sld [smem:$0x3FFD];
	_ =	sdelay $0x3  }
0x96: {  	_ =	strace s2  }
0x97: {  	_ =	strace $0x8FFFFFFF  }
0x98: {  	s18 =	sld [smem:$0x3FDB];
	_ =	sdelay $0x1  }
0x99: {  	s19 =	simm.s32 $_scs_section_size  }
0x9a: {  	s4 =	simm.s32 $_size__tile_overlayer_lowered;
	s5 =	simm.s32 $_tile_overlayer_lowered  }
0x9b: {  	s22 =	simm.s32 $0x1BFF;
	s21 =	sshll.u32 s5, $0x1;
	s2 =	sadd.s32 s19, s18  }
0x9c: {  	s6 =	simm.s32 $0x0;
	s20 =	sshll.u32 s4, $0x1;
	s4 =	sadd.s32 s21, s2  }
0x9d: {  	[timem:s6], [sflag:s22] =	dma.local [hbm:s4], s20  }
0x9e: {  	_ =	swait.ge [sflag:s22], s20  }
0x9f: {  	s3 =	ssub.s32 $0x0, s20;
	[sflag:s22] =	ssyncset.done $0x0  }
0xa0: {  	[sflag:s22] =	ssyncadd.s32 s3;
	_ =	sdelay $0x1  }
0xa1: {  	s23 =	simm.s32 $0x1B8B  }
0xa2: {  	_ =	swait.ge [sflag:s23], $0x1  }
0xa3: {  	[sflag:s23] =	ssyncset.done $0x0  }
0xa4: {  	s25 =	simm.s32 $0x1B8E;
	s24 =	sld [smem:$0x3FFE];
	[sflag:s23] =	ssyncadd.s32 $0xFFFFFFFF  }
0xa5: {  	s26 =	simm.s32 $execute0_lowered;
	[smem:$0x3FD2] =	sst s25  }
0xa6: {  	s4 =	sshll.u32 s26, $0x1;
	_ =	strace $0x8000004C;
	[dreg:$0x1] =	wrdreg $0xFFFFFFFF  }
0xa7: {  	s28 =	simm.s32 $_size_execute0_lowered;
	s2 =	sadd.s32 s2, s4;
	[dreg:$0x0] =	wrdreg $0x0  }
0xa8: {  	s4 =	sshll.u32 s28, $0x1;
	[dreg:$0x2] =	wrdreg s2  }
0xa9: {  	[dreg:$0x3] =	wrdreg s4  }
0xaa: {  	[dreg:$0x4] =	wrdreg $0xC0  }
0xab: {  	_ =	task [dreg:s6], $0x5FFFF  }
0xac: {  	[dreg:$0x1] =	wrdreg $0xFFFFFFFF  }
0xad: {  	[dreg:$0x0] =	wrdreg $0x60  }
0xae: {  	[dreg:$0x2] =	wrdreg s24  }
0xaf: {  	[dreg:$0x3] =	wrdreg $0x16E780  }
0xb0: {  	[dreg:$0x4] =	wrdreg $0x17AB80  }
0xb1: {  	[dreg:$0x5] =	wrdreg $0x9  }
0xb2: {  	_ =	task.clear_ibuf [dreg:s6], $0x6FFFF;
	_ =	strace $0x9000004C  }
0xb3: {  	s29 =	simm.s32 $0x9;
	_ =	strace $0x8000004E  }
0xb4: {  	_ =	swait.ge [sflag:s29], $0x1  }
0xb5: {  	[sflag:s29] =	ssyncadd.s32 $0xFFFFFFFF  }
0xb6: {  	_ =	strace $0x9000004E  }
0xb7: {  	_ =	sfence  }
0xb8: {  	s30 =	sld [smem:$0x0];
	_ =	sdelay $0x2  }
0xb9: {  	s31 =	sshll.u32 s1, $0xD;
	s1 =	sshrl.u32 s1, $0x2  }
0xba: {  	s3 =	sand.u32 $0x4000, s31;
	s1 =	sadd.s32 s1, s30  }
0xbb: {  	s0 =	sor.u32 s3, s0;
	s1 =	sshll.u32 s1, $0x11  }
0xbc: {  	s0 =	sor.u32 s1, s0  }
0xbd: {  	s0 =	sadd.s32 $0x8F2B, s0  }
0xbe: {  	[sflag:s0] =	ssyncadd.remote.s32 $0x1  }
0xbf: {  	_ =	sfence.sel $0xFFFF  }
0xc0: {  	[dreg:$0x0] =	wrdreg $0xFFFFFFFF;
	(pc) =	sbr.abs _section_cstart, $3  }
0xc1: {  	[dreg:$0x1] =	wrdreg $0xFFFFFFFF  }
0xc2: {  	_ =	task.clear_ibuf [dreg:s6], $0x2FFFF;
	_ =	strace $0x9FFFFFFF  }
0xc3: {  	(tm) =	ssettm $0x7FFFFFFF  }
tec
execute0_lowered:
.L_overlay_start_1:
0x0: {  	(tag) =	ssettag $0x1  }
0x1: {  	s6 =	rddreg [dreg:$0x0]  }
0x2: {  	s1 =	srdreg.scid;
	s2 =	rddreg [dreg:$0x1]  }
0x3: {  	s0 =	stileid.u32;
	s3 =	rddreg [dreg:$0x2];
	s4 =	simm.s32 $0x0  }
0x4: {  	s17 =	simm.s32 $0x124F8;
	s18 =	simm.s32 $0x2;
	s19 =	simm.s32 $0x13138  }
0x5: {  	s20 =	simm.s32 $0x13D78;
	s21 =	simm.s32 $0x149B8;
	s22 =	simm.s32 $0x155F8  }
0x6: {  	s24 =	simm.s32 $0xC350;
	s25 =	simm.s32 $0x1;
	s26 =	simm.s32 $0x0  }
0x7: {  	s23 =	sand.u32 $0x1, s1;
	s30 =	sshll.u32 s0, $0x1;
	s11 =	smul.u32 $0x1880, s0  }
0x8: {  	[smem:$0x7FF] =	sst s4;
	s10 =	smul.u32 $0xC40, s0;
	s1 =	sor.u32 s23, s30  }
0x9: {  	s7 =	smul.u32 $0x18800, s23;
	s9 =	ssub.s32 $0x2, s23;
	p0 =	sne.s32 s23, $0x0  }
0xa: {  	s23 =	simm.s32 $0x61A8;
	s5 =	smul.u32 $0xC35, s1;
	s1 =	rddreg [dreg:$0x3]  }
0xb: {  	_ =	strace $0x8000004D;
	s8 =	sshrl.u32 s10, $0x3;
	s31 =	sshrl.u32 s9, $0x1  }
0xc: {  	s10 =	sadd.s32 s10, s2;
	s7 =	sadd.s32 s11, s7;
	s12 =	sadd.s32 s8, s6  }
0xd: {  	s16 =	ssub.s32 s9, s31;
	s11 =	sadd.s32 s11, s3;
	s14 =	sadd.s32 s5, s6  }
0xe: {  	s5 =	sadd.s32 $0x36200, s6;
	s7 =	sshrl.u32 s7, $0x3;
	s8 =	sadd.s32 $0x34800, s12  }
0xf: {  	s9 =	sadd.s32 $0x32E00, s12;
	s16 =	smax.u32 s16, $0x1;
	s15 =	sadd.s32 s7, s6  }
0x10: {  	s6 =	sadd.s32 $0x3BC00, s12;
	s7 =	sadd.s32 $0x3D600, s12;
	s12 =	sadd.s32 $0x36600, s12  }
0x11: {  	v0 =	vimm.s32 $0x0;
	s13 =	sadd.s32 $0x1A600, s14;
	s14 =	sadd.s32 $0x1E00, s14;
	s15 =	sadd.s32 $0x3F000, s15  }
.LBB2_1:
0x12: {  	[tilespmem:s17], [sflag:$0x2] =	stream.linear.gather [hbm4b:s6+s4], $0xC40, $0x38;
	[tilespmem:$0x19338] =	vst v63  }
0x13: {  	_ =	swait.ge [sflag:s18], $0xC40  }
0x14: {  	[sflag:s18] =	ssyncset.done $0x0  }
0x15: {  	[sflag:s18] =	ssyncadd.s32 $0xFFFFF3C0  }
0x16: {  	[tilespmem:s19], [sflag:$0x2] =	stream.linear.gather [hbm4b:s7+s4], $0xC40, $0x38;
	[tilespmem:$0x19338] =	vst v63  }
0x17: {  	_ =	swait.ge [sflag:s18], $0xC40  }
0x18: {  	[sflag:s18] =	ssyncset.done $0x0  }
0x19: {  	[sflag:s18] =	ssyncadd.s32 $0xFFFFF3C0  }
0x1a: {  	[tilespmem:s20], [sflag:$0x2] =	stream.linear.gather [hbm4b:s8+s4], $0xC40, $0x38;
	[tilespmem:$0x19338] =	vst v63  }
0x1b: {  	_ =	swait.ge [sflag:s18], $0xC40  }
0x1c: {  	[sflag:s18] =	ssyncset.done $0x0  }
0x1d: {  	[sflag:s18] =	ssyncadd.s32 $0xFFFFF3C0  }
0x1e: {  	[tilespmem:s21], [sflag:$0x2] =	stream.linear.gather [hbm4b:s9+s4], $0xC40, $0x38;
	[tilespmem:$0x19338] =	vst v63  }
0x1f: {  	_ =	swait.ge [sflag:s18], $0xC40  }
0x20: {  	[sflag:s18] =	ssyncset.done $0x0  }
0x21: {  	[sflag:s18] =	ssyncadd.s32 $0xFFFFF3C0  }
0x22: {  	[tilespmem:s22], [sflag:$0x2] =	stream.linear.gather [hbm4b:s5+s4], $0x1880, $0x38;
	[tilespmem:$0x19338] =	vst v63  }
0x23: {  	_ =	swait.ge [sflag:s18], $0x1880  }
0x24: {  	[sflag:s18] =	ssyncset.done $0x0  }
0x25: {  	s28 =	simm.s32 $0x0;
	[sflag:s18] =	ssyncadd.s32 $0xFFFFE780  }
0x26: {  	s29 =	simm.s32 $0x40;
	v1 =	vld [tilespmem:s28+$0x149B8]  }
.LBB2_2:
0x27: {  	p1 =	sne.s32 s29, $0x30C0;
	v2 =	vld [tilespmem:s28+$0x13D78];
	_ =	sdelay $0x1  }
0x28: {  	v3 =	vld [tilespmem:s28+$0x13138];
	_ =	sdelay $0x1  }
0x29: {  	v4 =	vld [tilespmem:s28+$0x124F8]  }
0x2a: {  	v1 =	vadd.f32 v1, v2;
	_ =	sdelay $0x1  }
0x2b: {  	v1 =	vadd.f32 v3, v1;
	_ =	sdelay $0x1  }
.Ltmp0:
0x2c: {  	v1 =	vmul.f32 v1, v4;
	(pc) =	sbr.rel @p1 .LBB2_2-.Ltmp0, $4  }
0x2d: {  	_ = 	snop  }
0x2e: {  	v2 =	vmul.f32 v1, v4  }
0x2f: {  	s30 =	sshra.s32 s29, $0x2  }
0x30: {  	s29 =	sadd.s32 $0x40, s29;
	v1 =	vld [tilespmem:s30+$0x149B8];
	[tilespmem:s28+$0x13D78] =	vst v2;
	s28 =	smov.u32 s30  }
0x31: {  	v2 =	vld [tilespmem:s28+$0x13D78];
	_ =	sdelay $0x1  }
0x32: {  	v3 =	vld [tilespmem:s28+$0x13138];
	_ =	sdelay $0x1  }
0x33: {  	v4 =	vld [tilespmem:s28+$0x124F8]  }
0x34: {  	v1 =	vadd.f32 v1, v2;
	_ =	sdelay $0x1  }
0x35: {  	v1 =	vadd.f32 v3, v1;
	_ =	sdelay $0x1  }
0x36: {  	v1 =	vmul.f32 v1, v4;
	_ =	sdelay $0x1  }
0x37: {  	v1 =	vmul.f32 v1, v4;
	_ =	sdelay $0x1  }
0x38: {  	[tilespmem:s28+$0x13D78] =	vst v1  }
0x39: {  	[spmem:s10] =	stream.linear.scatter [tilespmem:s20], [sflag:$0x2], $0xC40, $0x38;
	[tilespmem:$0x19338] =	vst v63  }
0x3a: {  	_ =	swait.ge [sflag:s18], $0xC40  }
0x3b: {  	[sflag:s18] =	ssyncset.done $0x0  }
0x3c: {  	[sflag:s18] =	ssyncadd.s32 $0xFFFFF3C0  }
0x3d: {  	[spmem:s11] =	stream.linear.scatter [tilespmem:s22], [sflag:$0x2], $0x1880, $0x38;
	[tilespmem:$0x19338] =	vst v63  }
0x3e: {  	_ =	swait.ge [sflag:s18], $0x1880  }
0x3f: {  	[sflag:s18] =	ssyncset.done $0x0  }
0x40: {  	s29 =	simm.s32 @!p0 $0x13D78;
	s28 =	simm.s32 @!p0 $0x0;
	[sflag:s18] =	ssyncadd.s32 $0xFFFFE780  }
0x41: {  	[hbm4b:s12+s28] =	stream.linear.scatter @!p0 [tilespmem:s29], [sflag:$0x2], $0xC40, $0x38;
	[tilespmem:$0x19338] =	vst v63  }
0x42: {  	s28 =	simm.s32 @!p0 $0x2  }
0x43: {  	_ =	swait.ge @!p0 [sflag:s28], $0xC40  }
0x44: {  	[sflag:s28] =	ssyncset.done @!p0 $0x0  }
0x45: {  	[sflag:s28] =	ssyncadd.s32 @!p0 $0xFFFFF3C0  }
0x46: {  	s28 =	simm.s32 $0x0;
	[bflag:$0x0] =	sbarrier.arrive $0xFFFF  }
0x47: {  	[tilespmem:s28], [sflag:$0x2] =	stream.linear.gather [hbm4b:s13+s28], $0x61A8, $0x38;
	[tilespmem:$0x19338] =	vst v63  }
0x48: {  	_ =	swait.ge [sflag:s18], $0x61A8  }
0x49: {  	[sflag:s18] =	ssyncset.done $0x0  }
0x4a: {  	[sflag:s18] =	ssyncadd.s32 $0xFFFF9E58  }
0x4b: {  	[tilespmem:s23], [sflag:$0x2] =	stream.linear.gather [hbm4b:s14+s28], $0x61A8, $0x38;
	[tilespmem:$0x19338] =	vst v63  }
0x4c: {  	_ =	swait.ge [sflag:s18], $0x61A8  }
0x4d: {  	[sflag:s18] =	ssyncset.done $0x0  }
0x4e: {  	[sflag:s18] =	ssyncadd.s32 $0xFFFF9E58  }
0x4f: {  	[tilespmem:s24], [sflag:$0x1] =	stream.indirect.gather [spmem:s2], $0x1, s28, s23, $0xb8;
	[tilespmem:$0x19338] =	vst v63  }
0x50: {  	_ =	swait.ge [sflag:s25], $0x61A8  }
0x51: {  	[sflag:s25] =	ssyncset.done $0x0  }
0x52: {  	s28 =	simm.s32 $0x0;
	[sflag:s25] =	ssyncadd.s32 $0xFFFF9E58  }
0x53: {  	v1 =	vld [tilespmem:s28+$0xC350];
	_ =	sdelay $0x1  }
0x54: {  	v2 =	vld [tilespmem:s28+$0x61A8];
	_ =	sdelay $0x2  }
0x55: {  	vm0 =	vlt.f32 v1, $0.0e+00;
	v1 =	vand.u32 $0x7FFFFFFF, v1  }
0x56: {  	s29 =	simm.s32 $0x10;
	v3 =	vsel vm0, $0xC400, v0;
	[tilespmem:s28+$0xC350] =	vst v1  }
0x57: {  	s30 =	simm.s32 $0x80;
	v1 =	vld [tilespmem:s29+$0xC350];
	v2 =	vadd.s32 v2, v3  }
.LBB2_4:
0x58: {  	p1 =	sne.s32 s30, $0x18640;
	[tilespmem:s28+$0x61A8] =	vst v2;
	s31 =	smov.u32 s30;
	s30 =	sadd.s32 $0x40, s30  }
0x59: {  	s28 =	smov.u32 s29;
	v2 =	vld [tilespmem:s29+$0x61A8]  }
.Ltmp1:
0x5a: {  	(pc) =	sbr.rel @p1 .LBB2_4-.Ltmp1, $4  }
0x5b: {  	_ = 	snop  }
0x5c: {  	vm0 =	vlt.f32 v1, $0.0e+00;
	v1 =	vand.u32 $0x7FFFFFFF, v1  }
0x5d: {  	s29 =	sshra.s32 s31, $0x2;
	v3 =	vsel vm0, $0xC400, v0;
	[tilespmem:s28+$0xC350] =	vst v1  }
0x5e: {  	v1 =	vld [tilespmem:s29+$0xC350];
	v2 =	vadd.s32 v2, v3  }
0x5f: {  	[tilespmem:s28+$0x61A8] =	vst v2  }
0x60: {  	v2 =	vld [tilespmem:s29+$0x61A8];
	_ =	sdelay $0x2  }
0x61: {  	vm0 =	vlt.f32 v1, $0.0e+00  }
0x62: {  	v1 =	vand.u32 $0x7FFFFFFF, v1;
	v3 =	vsel vm0, $0xC400, v0  }
0x63: {  	[tilespmem:s29+$0xC350] =	vst v1;
	v1 =	vadd.s32 v2, v3  }
0x64: {  	[tilespmem:s29+$0x61A8] =	vst v1  }
0x65: {  	v1 =	vld [tilespmem:$0x124E8];
	_ =	sdelay $0x1  }
0x66: {  	v2 =	vld [tilespmem:$0xC340];
	_ =	sdelay $0x2  }
0x67: {  	vm15 =	vlt.f32 v1, $0.0e+00  }
0x68: {  	v1 =	vand.u32 $0x7FFFFFFF, v1;
	v3 =	vsel vm15, $0xC400, v0  }
0x69: {  	[tilespmem:$0x124E8] =	vst v1;
	v2 =	vadd.s32 v2, v3  }
0x6a: {  	[tilespmem:$0xC340] =	vst v2  }
0x6b: {  	[spmem:s3] =	stream.indirect.scatter.add.f32 [tilespmem:s24], [sflag:$0x2], $0x1, s23, s23, $0xb8;
	[tilespmem:$0x19338] =	vst v63  }
0x6c: {  	_ =	swait.ge [sflag:s18], $0x61A8  }
0x6d: {  	[sflag:s18] =	ssyncset.done $0x0  }
0x6e: {  	[sflag:s18] =	ssyncadd.s32 $0xFFFF9E58  }
0x6f: {  	[bflag:$0x0] =	sbarrier.arrive $0xFFFF  }
0x70: {  	[tilespmem:s22], [sflag:$0x2] =	stream.linear.gather [spmem:s11], $0x1880, $0x38;
	[tilespmem:$0x19338] =	vst v63  }
0x71: {  	s26 =	sadd.s32 $0x1, s26;
	_ =	swait.ge [sflag:s18], $0x1880  }
0x72: {  	p1 =	sne.s32 s26, s16;
	[sflag:s18] =	ssyncset.done $0x0  }
.Ltmp2:
0x73: {  	[sflag:s18] =	ssyncadd.s32 $0xFFFFE780;
	(pc) =	sbr.rel @p1 .LBB2_1-.Ltmp2, $4  }
0x74: {  	[hbm4b:s15+s4] =	stream.linear.scatter [tilespmem:s22], [sflag:$0x2], $0x1880, $0x38;
	[tilespmem:$0x19338] =	vst v63  }
0x75: {  	_ =	swait.ge [sflag:s18], $0x1880  }
0x76: {  	[sflag:s18] =	ssyncset.done $0x0  }
0x77: {  	[sflag:s18] =	ssyncadd.s32 $0xFFFFE780  }
0x78: {  	_ =	sfence.sel $0x180000  }
0x79: {  	[bflag:$0x0] =	sbarrier.arrive $0xFFFF  }
0x7a: {  	p0 =	sne.s32 s0, $0x0;
	_ =	strace $0x9000004D  }
0x7b: {  	s0 =	sadd.s32 @!p0 $0x100000, s1;
	[bflag:$0x2] =	sbarrier.arrive $0xFFFF  }
0x7c: {  	[sflag:s0] =	ssyncadd.tile.s32 @!p0 $0x1;
	_ =	shalt  }
.Lfunc_end2:
_tile_overlayer_lowered:
.L_overlay_start_2:
0x7d: {  	(tag) =	ssettag $0x2  }
0x7e: {  	s0 =	rddreg [dreg:$0x0];
	s2 =	stileid.u32  }
0x7f: {  	s1 =	rddreg [dreg:$0x1];
	p0 =	sne.s32 s2, $0x0  }
0x80: {  	s3 =	rddreg [dreg:$0x2];
	[bflag:$0x3] =	sbarrier.arrive $0xFFFF;
	s2 =	simm.s32 @!p0 $0x1C02  }
0x81: {  	[timem:s3], [sflag:s2] =	dma.local @!p0 [hbm:s0], s1  }
0x82: {  	s0 =	simm.s32 @!p0 $0x2  }
0x83: {  	_ =	swait.ge @!p0 [sflag:s0], s1  }
0x84: {  	s1 =	ssub.s32 @!p0 $0x0, s1;
	[sflag:s0] =	ssyncset.done @!p0 $0x0  }
0x85: {  	[sflag:s0] =	ssyncadd.s32 @!p0 s1  }
0x86: {  	[bflag:$0x3] =	sbarrier.arrive $0xFFFF  }
0x87: {  	_ =	shalt  }

// kernel: kernel.6.cloned.1.call-start
scs
__scs_entry_jumppad:
0x0: {  	(pc) =	sbr.rel $0x88, $3  }
0x1: {  	(tag) =	ssettag $0x0;
	lr =	simm.s32 $0x1  }
0x2: {  	[smem:$0x3F99] =	sst lr;
	_ =	strace $0xD0000000  }
0x3: {  	_ = 	snop  }
0x4: {  	_ = 	snop  }
0x5: {  	_ = 	snop  }
0x6: {  	_ = 	snop  }
0x7: {  	_ = 	snop  }
__scs_overlays_trampoline_lowered:
0x8: {  	[smem:$0x3FA8] =	sst s0  }
0x9: {  	[smem:$0x3FA9] =	sst s1  }
0xa: {  	[smem:$0x3FAA] =	sst s2  }
0xb: {  	[smem:$0x3FAB] =	sst s3  }
0xc: {  	[smem:$0x3FAC] =	sst s4  }
0xd: {  	[smem:$0x3FAD] =	sst s5  }
0xe: {  	[smem:$0x3FAE] =	sst s6  }
0xf: {  	[smem:$0x3FAF] =	sst s7  }
0x10: {  	[smem:$0x3FB0] =	sst s8  }
0x11: {  	[smem:$0x3FB1] =	sst s9;
	s0 =	simm.s32 @!p0 $0x0  }
0x12: {  	s1 =	sld [smem:$0x3F97];
	s0 =	simm.s32 @p0 $0x1  }
0x13: {  	[smem:$0x3FB2] =	sst s0;
	s0 =	simm.s32 @!p1 $0x0  }
0x14: {  	s2 =	sld [smem:$0x3F96];
	s0 =	simm.s32 @p1 $0x1  }
0x15: {  	[smem:$0x3FB3] =	sst s0;
	s0 =	simm.s32 @!p2 $0x0  }
0x16: {  	s3 =	sld [smem:$0x3FDB];
	s0 =	simm.s32 @p2 $0x1  }
0x17: {  	s4 =	simm.s32 $0x1BF5;
	[smem:$0x3FB5] =	sst s0  }
0x18: {  	s0 =	sld [smem:$0x3F98];
	_ =	swait.ge [sflag:s4], $0x0  }
0x19: {  	s7 =	sld [smem:$0x3F99]  }
0x1a: {  	s8 =	sadd.s32 $0xFFFFE003, lr  }
0x1b: {  	s9 =	sadd.s32 $0xFFFFFEF7, lr;
	s5 =	simm.s32 $0xFFFFFFFF;
	p2 =	slt.u32 s8, $0xFFFFF086  }
0x1c: {  	p1 =	slt.u32 s9, $0xF7A;
	s5 =	simm.s32 @!p2 $0x0  }
0x1d: {  	s5 =	simm.s32 @p1 $0x1;
	p0 =	seq.s32 s7, s2  }
0x1e: {  	s7 =	smul.u32 @!p0 $0xF7A, s2;
	p2 =	seq.s32 @!p0 s5, $0x0  }
0x1f: {  	s9 =	smul.u32 $0xF7A, s1;
	s8 =	simm.s32 @!p0 $0x1BF5;
	p2 =	por !p2, p0  }
0x20: {  	[sflag:s8] =	ssyncset.s32 @!p0 $0xFFFFF086;
	s6 =	sadd.s32 @!p0 s3, s7;
	s7 =	simm.s32 @!p0 $0x108  }
0x21: {  	s3 =	sadd.s32 s3, s9;
	s6 =	sadd.s32 @!p0 $0x88, s6;
	s7 =	simm.s32 @p2 $0x1082  }
0x22: {  	[simem:s7], [sflag:s8] =	dma.local @!p0 [hbm:s6], $0xF7A  }
0x23: {  	s9 =	sor.u32 $0xD0000000, s2;
	s6 =	simm.s32 $0x108;
	_ =	swait.ge @!p0 [sflag:s8], $0x0  }
0x24: {  	s3 =	sadd.s32 $0x88, s3;
	s6 =	simm.s32 @!p1 $0x1082;
	[sflag:s4] =	ssyncset.s32 $0xFFFFF086  }
0x25: {  	[simem:s6], [sflag:s4] =	dma.local [hbm:s3], $0xF7A  }
0x26: {  	[smem:$0x3F99] =	sst s1;
	(tag) =	ssettag s2;
	_ =	strace s9  }
0x27: {  	s1 =	sld [smem:$0x3FA9]  }
0x28: {  	s2 =	sld [smem:$0x3FAA]  }
0x29: {  	s4 =	sld [smem:$0x3FAC]  }
0x2a: {  	p0 =	seq.s32 s5, $0x0;
	s5 =	sld [smem:$0x3FAD]  }
0x2b: {  	s6 =	sld [smem:$0x3FAE]  }
0x2c: {  	s7 =	sld [smem:$0x3FAF]  }
0x2d: {  	s3 =	simm.s32 $0x108;
	s8 =	sld [smem:$0x3FB0]  }
0x2e: {  	s3 =	simm.s32 @!p0 $0x1082;
	s9 =	sld [smem:$0x3FB1]  }
0x2f: {  	lr =	sadd.s32 s0, s3;
	s0 =	sld [smem:$0x3FA8]  }
0x30: {  	s3 =	sld [smem:$0x3FAB]  }
0x31: {  	[smem:$0x3FB4] =	sst s10  }
0x32: {  	s10 =	sld [smem:$0x3FB2];
	_ =	sdelay $0x3  }
0x33: {  	p0 =	seq.s32 s10, $0x1;
	s10 =	sld [smem:$0x3FB4];
	_ =	sdelay $0x3  }
0x34: {  	[smem:$0x3FB4] =	sst s10  }
0x35: {  	s10 =	sld [smem:$0x3FB3];
	_ =	sdelay $0x3  }
0x36: {  	p1 =	seq.s32 s10, $0x1;
	s10 =	sld [smem:$0x3FB4];
	_ =	sdelay $0x3  }
0x37: {  	[smem:$0x3FB4] =	sst s10  }
0x38: {  	s10 =	sld [smem:$0x3FB5]  }
0x39: {  	_ = 	snop;
	(pc) =	sbr.ind lr, $3  }
0x3a: {  	_ = 	snop  }
0x3b: {  	_ = 	snop  }
0x3c: {  	p2 =	seq.s32 s10, $0x1;
	s10 =	sld [smem:$0x3FB4]  }
0x3d: {  	_ =	shalt  }
0x3e: {  	_ =	shalt  }
0x3f: {  	_ =	shalt  }
0x40: {  	_ =	shalt  }
0x41: {  	_ =	shalt  }
0x42: {  	_ =	shalt  }
0x43: {  	_ =	shalt  }
0x44: {  	_ =	shalt  }
0x45: {  	_ =	shalt  }
0x46: {  	_ =	shalt  }
0x47: {  	_ =	shalt  }
0x48: {  	_ =	shalt  }
0x49: {  	_ =	shalt  }
0x4a: {  	_ =	shalt  }
0x4b: {  	_ =	shalt  }
0x4c: {  	_ =	shalt  }
0x4d: {  	_ =	shalt  }
0x4e: {  	_ =	shalt  }
0x4f: {  	_ =	shalt  }
0x50: {  	_ =	shalt  }
0x51: {  	_ =	shalt  }
0x52: {  	_ =	shalt  }
0x53: {  	_ =	shalt  }
0x54: {  	_ =	shalt  }
0x55: {  	_ =	shalt  }
0x56: {  	_ =	shalt  }
0x57: {  	_ =	shalt  }
0x58: {  	_ =	shalt  }
0x59: {  	_ =	shalt  }
0x5a: {  	_ =	shalt  }
0x5b: {  	_ =	shalt  }
0x5c: {  	_ =	shalt  }
0x5d: {  	_ =	shalt  }
0x5e: {  	_ =	shalt  }
0x5f: {  	_ =	shalt  }
0x60: {  	_ =	shalt  }
0x61: {  	_ =	shalt  }
0x62: {  	_ =	shalt  }
0x63: {  	_ =	shalt  }
0x64: {  	_ =	shalt  }
0x65: {  	_ =	shalt  }
0x66: {  	_ =	shalt  }
0x67: {  	_ =	shalt  }
0x68: {  	_ =	shalt  }
0x69: {  	_ =	shalt  }
0x6a: {  	_ =	shalt  }
0x6b: {  	_ =	shalt  }
0x6c: {  	_ =	shalt  }
0x6d: {  	_ =	shalt  }
0x6e: {  	_ =	shalt  }
0x6f: {  	_ =	shalt  }
0x70: {  	_ =	shalt  }
0x71: {  	_ =	shalt  }
0x72: {  	_ =	shalt  }
0x73: {  	_ =	shalt  }
0x74: {  	_ =	shalt  }
0x75: {  	_ =	shalt  }
0x76: {  	_ =	shalt  }
0x77: {  	_ =	shalt  }
0x78: {  	_ =	shalt  }
0x79: {  	_ =	shalt  }
0x7a: {  	_ =	shalt  }
0x7b: {  	_ =	shalt  }
0x7c: {  	_ =	shalt  }
0x7d: {  	_ =	shalt  }
0x7e: {  	_ =	shalt  }
0x7f: {  	_ =	shalt  }
0x80: {  	_ =	shalt  }
0x81: {  	_ =	shalt  }
0x82: {  	_ =	shalt  }
0x83: {  	_ =	shalt  }
0x84: {  	_ =	shalt  }
0x85: {  	_ =	shalt  }
0x86: {  	_ =	shalt  }
0x87: {  	_ =	shalt  }
.Lfunc_end0:
.L_simem_size_0:
called_computation_lowered:
.L_overlay_start_0:
0x88: {  	s2 =	sld [smem:$0x3FD9]  }
0x89: {  	s3 =	sld [smem:$0x3FFE];
	_ =	sdelay $0x1  }
0x8a: {  	s1 =	srdreg.scid  }
0x8b: {  	s0 =	sand.u32 $0x1, s1  }
0x8c: {  	s16 =	sshll.u32 s0, $0xA;
	s2 =	sadd.s32 s3, s2  }
0x8d: {  	s2 =	sadd.s32 s2, s16  }
0x8e: {  	[smem:$0x3FC0] =	sst s2  }
0x8f: {  	_ = 	snop  }
0x90: {  	(tm) =	ssettm $0x1  }
0x91: {  	s17 =	sld [smem:$0x3FFB];
	_ =	sdelay $0x3  }
0x92: {  	_ =	strace s17  }
0x93: {  	s2 =	sld [smem:$0x3FFC];
	_ =	sdelay $0x3  }
0x94: {  	_ =	strace s2  }
0x95: {  	s2 =	sld [smem:$0x3FFD];
	_ =	sdelay $0x3  }
0x96: {  	_ =	strace s2  }
0x97: {  	_ =	strace $0x8FFFFFFF  }
0x98: {  	s18 =	sld [smem:$0x3FDB];
	_ =	sdelay $0x1  }
0x99: {  	s19 =	simm.s32 $_scs_section_size  }
0x9a: {  	s4 =	simm.s32 $_size__tile_overlayer_lowered;
	s5 =	simm.s32 $_tile_overlayer_lowered  }
0x9b: {  	s22 =	simm.s32 $0x1BFF;
	s21 =	sshll.u32 s5, $0x1;
	s2 =	sadd.s32 s19, s18  }
0x9c: {  	s6 =	simm.s32 $0x0;
	s20 =	sshll.u32 s4, $0x1;
	s4 =	sadd.s32 s21, s2  }
0x9d: {  	[timem:s6], [sflag:s22] =	dma.local [hbm:s4], s20  }
0x9e: {  	_ =	swait.ge [sflag:s22], s20  }
0x9f: {  	s3 =	ssub.s32 $0x0, s20;
	[sflag:s22] =	ssyncset.done $0x0  }
0xa0: {  	[sflag:s22] =	ssyncadd.s32 s3;
	_ =	sdelay $0x1  }
0xa1: {  	s23 =	simm.s32 $0x1B8B  }
0xa2: {  	_ =	swait.ge [sflag:s23], $0x1  }
0xa3: {  	[sflag:s23] =	ssyncset.done $0x0  }
0xa4: {  	s25 =	simm.s32 $0x1B8E;
	s24 =	sld [smem:$0x3FFE];
	[sflag:s23] =	ssyncadd.s32 $0xFFFFFFFF  }
0xa5: {  	s26 =	simm.s32 $execute0_lowered;
	[smem:$0x3FD2] =	sst s25  }
0xa6: {  	s4 =	sshll.u32 s26, $0x1;
	_ =	strace $0x80000046;
	[dreg:$0x1] =	wrdreg $0xFFFFFFFF  }
0xa7: {  	s28 =	simm.s32 $_size_execute0_lowered;
	s2 =	sadd.s32 s2, s4;
	[dreg:$0x0] =	wrdreg $0x0  }
0xa8: {  	s4 =	sshll.u32 s28, $0x1;
	[dreg:$0x2] =	wrdreg s2  }
0xa9: {  	[dreg:$0x3] =	wrdreg s4  }
0xaa: {  	[dreg:$0x4] =	wrdreg $0xC0  }
0xab: {  	_ =	task [dreg:s6], $0x5FFFF  }
0xac: {  	[dreg:$0x1] =	wrdreg $0xFFFFFFFF  }
0xad: {  	[dreg:$0x0] =	wrdreg $0x60  }
0xae: {  	[dreg:$0x2] =	wrdreg s24  }
0xaf: {  	[dreg:$0x3] =	wrdreg $0xCF900  }
0xb0: {  	[dreg:$0x4] =	wrdreg $0x9  }
0xb1: {  	_ =	task.clear_ibuf [dreg:s6], $0x5FFFF;
	_ =	strace $0x90000046  }
0xb2: {  	s29 =	simm.s32 $0x9;
	_ =	strace $0x80000048  }
0xb3: {  	_ =	swait.ge [sflag:s29], $0x1  }
0xb4: {  	[sflag:s29] =	ssyncadd.s32 $0xFFFFFFFF  }
0xb5: {  	_ =	strace $0x90000048  }
0xb6: {  	_ =	sfence  }
0xb7: {  	s30 =	sld [smem:$0x0];
	_ =	sdelay $0x2  }
0xb8: {  	s31 =	sshll.u32 s1, $0xD;
	s1 =	sshrl.u32 s1, $0x2  }
0xb9: {  	s3 =	sand.u32 $0x4000, s31;
	s1 =	sadd.s32 s1, s30  }
0xba: {  	s0 =	sor.u32 s3, s0;
	s1 =	sshll.u32 s1, $0x11  }
0xbb: {  	s0 =	sor.u32 s1, s0  }
0xbc: {  	s0 =	sadd.s32 $0x8F2B, s0  }
0xbd: {  	[sflag:s0] =	ssyncadd.remote.s32 $0x1  }
0xbe: {  	_ =	sfence.sel $0xFFFF  }
0xbf: {  	[dreg:$0x0] =	wrdreg $0xFFFFFFFF;
	(pc) =	sbr.abs _section_cstart, $3  }
0xc0: {  	[dreg:$0x1] =	wrdreg $0xFFFFFFFF  }
0xc1: {  	_ =	task.clear_ibuf [dreg:s6], $0x2FFFF;
	_ =	strace $0x9FFFFFFF  }
0xc2: {  	(tm) =	ssettm $0x7FFFFFFF  }
0xc3: {  	_ =	shalt  }
tec
execute0_lowered:
.L_overlay_start_1:
0x0: {  	(tag) =	ssettag $0x1  }
0x1: {  	s11 =	rddreg [dreg:$0x0]  }
0x2: {  	s1 =	rddreg [dreg:$0x1]  }
0x3: {  	s0 =	rddreg [dreg:$0x2];
	s2 =	simm.s32 $0x0  }
0x4: {  	s6 =	simm.s32 $0x61A8;
	[smem:$0x7FF] =	sst s2  }
0x5: {  	s5 =	simm.s32 $0x1;
	s4 =	sadd.s32 $0x33000, s11;
	_ =	strace $0x80000047  }
0x6: {  	[tilespmem:s6], [sflag:$0x1] =	stream.linear.gather [hbm4b:s4+s2], $0x61A8, $0x38;
	[tilespmem:$0xDBD0] =	vst v63  }
0x7: {  	_ =	swait.ge [sflag:s5], $0x61A8  }
0x8: {  	s3 =	stileid.u32;
	[sflag:s5] =	ssyncset.done $0x0  }
0x9: {  	s8 =	simm.s32 $0xC350;
	s7 =	sadd.s32 $0x32E00, s11;
	[sflag:s5] =	ssyncadd.s32 $0xFFFF9E58  }
0xa: {  	[tilespmem:s8], [sflag:$0x1] =	stream.linear.gather [hbm4b:s7+s2], $0xC40, $0x38;
	[tilespmem:$0xDBD0] =	vst v63  }
0xb: {  	s9 =	srdreg.scid;
	s12 =	smul.u32 $0xC40, s3;
	_ =	swait.ge [sflag:s5], $0xC40  }
0xc: {  	s13 =	sand.u32 $0x1, s9;
	s29 =	sshll.u32 s3, $0x1;
	[sflag:s5] =	ssyncset.done $0x0  }
0xd: {  	s10 =	sor.u32 s13, s29;
	s9 =	sadd.s32 s12, s1;
	[sflag:s5] =	ssyncadd.s32 $0xFFFFF3C0  }
0xe: {  	[spmem:s9] =	stream.linear.scatter [tilespmem:s8], [sflag:$0x1], $0xC40, $0x38;
	[tilespmem:$0xDBD0] =	vst v63  }
0xf: {  	s10 =	smul.u32 $0xC35, s10;
	_ =	swait.ge [sflag:s5], $0xC40  }
0x10: {  	[sflag:s5] =	ssyncset.done $0x0  }
0x11: {  	s10 =	sadd.s32 s10, s11;
	[sflag:s5] =	ssyncadd.s32 $0xFFFFF3C0  }
0x12: {  	s10 =	sadd.s32 $0x1E00, s10;
	[bflag:$0x0] =	sbarrier.arrive $0xFFFF  }
0x13: {  	[tilespmem:s2], [sflag:$0x1] =	stream.linear.gather [hbm4b:s10+s2], $0x61A8, $0x38;
	[tilespmem:$0xDBD0] =	vst v63  }
0x14: {  	_ =	swait.ge [sflag:s5], $0x61A8  }
0x15: {  	[sflag:s5] =	ssyncset.done $0x0  }
0x16: {  	s14 =	smul.u32 $0xC400, s13;
	[sflag:s5] =	ssyncadd.s32 $0xFFFF9E58  }
0x17: {  	[spmem:s1] =	stream.indirect.scatter.add.f32 [tilespmem:s6], [sflag:$0x1], $0x1, s2, s6, $0xb8;
	[tilespmem:$0xDBD0] =	vst v63  }
0x18: {  	s13 =	ssub.s32 $0x2, s13;
	_ =	swait.ge [sflag:s5], $0x61A8  }
0x19: {  	s30 =	sshrl.u32 s13, $0x1;
	s12 =	sadd.s32 s12, s14;
	[sflag:s5] =	ssyncset.done $0x0  }
0x1a: {  	s31 =	ssub.s32 s13, s30;
	s12 =	sshrl.u32 s12, $0x3;
	[sflag:s5] =	ssyncadd.s32 $0xFFFF9E58  }
0x1b: {  	s11 =	sadd.s32 s12, s11;
	s12 =	smax.u32 s31, $0x1;
	[bflag:$0x0] =	sbarrier.arrive $0xFFFF  }
0x1c: {  	[tilespmem:s8], [sflag:$0x1] =	stream.linear.gather [spmem:s9], $0xC40, $0x38;
	[tilespmem:$0xDBD0] =	vst v63  }
0x1d: {  	p0 =	sne.s32 s12, $0x1;
	_ =	swait.ge [sflag:s5], $0xC40  }
.Ltmp0:
0x1e: {  	[sflag:s5] =	ssyncset.done $0x0;
	(pc) =	sbr.rel @!p0 .LBB2_2-.Ltmp0, $4  }
0x1f: {  	s11 =	sadd.s32 $0x33E00, s11;
	[sflag:s5] =	ssyncadd.s32 $0xFFFFF3C0  }
0x20: {  	[hbm4b:s11+s2] =	stream.linear.scatter [tilespmem:s8], [sflag:$0x1], $0xC40, $0x38;
	[tilespmem:$0xDBD0] =	vst v63  }
0x21: {  	_ =	swait.ge [sflag:s5], $0xC40  }
0x22: {  	s12 =	sadd.s32 $0xFFFFFFFF, s12;
	[sflag:s5] =	ssyncset.done $0x0  }
.LBB2_1:
0x23: {  	p0 =	sne.s32 s12, $0x1;
	s12 =	sadd.s32 $0xFFFFFFFF, s12;
	[sflag:s5] =	ssyncadd.s32 $0xFFFFF3C0  }
0x24: {  	[tilespmem:s6], [sflag:$0x1] =	stream.linear.gather [hbm4b:s4+s2], $0x61A8, $0x38;
	[tilespmem:$0xDBD0] =	vst v63  }
0x25: {  	_ =	swait.ge [sflag:s5], $0x61A8  }
0x26: {  	[sflag:s5] =	ssyncset.done $0x0  }
0x27: {  	[sflag:s5] =	ssyncadd.s32 $0xFFFF9E58  }
0x28: {  	[tilespmem:s8], [sflag:$0x1] =	stream.linear.gather [hbm4b:s7+s2], $0xC40, $0x38;
	[tilespmem:$0xDBD0] =	vst v63  }
0x29: {  	_ =	swait.ge [sflag:s5], $0xC40  }
0x2a: {  	[sflag:s5] =	ssyncset.done $0x0  }
0x2b: {  	[sflag:s5] =	ssyncadd.s32 $0xFFFFF3C0  }
0x2c: {  	[spmem:s9] =	stream.linear.scatter [tilespmem:s8], [sflag:$0x1], $0xC40, $0x38;
	[tilespmem:$0xDBD0] =	vst v63  }
0x2d: {  	_ =	swait.ge [sflag:s5], $0xC40  }
0x2e: {  	[sflag:s5] =	ssyncset.done $0x0  }
0x2f: {  	[sflag:s5] =	ssyncadd.s32 $0xFFFFF3C0  }
0x30: {  	[bflag:$0x0] =	sbarrier.arrive $0xFFFF  }
0x31: {  	[tilespmem:s2], [sflag:$0x1] =	stream.linear.gather [hbm4b:s10+s2], $0x61A8, $0x38;
	[tilespmem:$0xDBD0] =	vst v63  }
0x32: {  	_ =	swait.ge [sflag:s5], $0x61A8  }
0x33: {  	[sflag:s5] =	ssyncset.done $0x0  }
0x34: {  	[sflag:s5] =	ssyncadd.s32 $0xFFFF9E58  }
0x35: {  	[spmem:s1] =	stream.indirect.scatter.add.f32 [tilespmem:s6], [sflag:$0x1], $0x1, s2, s6, $0xb8;
	[tilespmem:$0xDBD0] =	vst v63  }
0x36: {  	_ =	swait.ge [sflag:s5], $0x61A8  }
0x37: {  	[sflag:s5] =	ssyncset.done $0x0  }
0x38: {  	[sflag:s5] =	ssyncadd.s32 $0xFFFF9E58  }
0x39: {  	[bflag:$0x0] =	sbarrier.arrive $0xFFFF  }
0x3a: {  	[tilespmem:s8], [sflag:$0x1] =	stream.linear.gather [spmem:s9], $0xC40, $0x38;
	[tilespmem:$0xDBD0] =	vst v63  }
0x3b: {  	_ =	swait.ge [sflag:s5], $0xC40  }
.Ltmp1:
0x3c: {  	[sflag:s5] =	ssyncset.done $0x0;
	(pc) =	sbr.rel @p0 .LBB2_1-.Ltmp1, $4  }
0x3d: {  	[sflag:s5] =	ssyncadd.s32 $0xFFFFF3C0  }
0x3e: {  	[hbm4b:s11+s2] =	stream.linear.scatter [tilespmem:s8], [sflag:$0x1], $0xC40, $0x38;
	[tilespmem:$0xDBD0] =	vst v63  }
0x3f: {  	_ =	swait.ge [sflag:s5], $0xC40  }
0x40: {  	[sflag:s5] =	ssyncset.done $0x0  }
.LBB2_2:
0x41: {  	[sflag:s5] =	ssyncadd.s32 $0xFFFFF3C0  }
0x42: {  	_ =	sfence.sel $0x180000  }
0x43: {  	[bflag:$0x0] =	sbarrier.arrive $0xFFFF  }
0x44: {  	p0 =	sne.s32 s3, $0x0;
	_ =	strace $0x90000047  }
0x45: {  	s0 =	sadd.s32 @!p0 $0x100000, s0;
	[bflag:$0x2] =	sbarrier.arrive $0xFFFF  }
0x46: {  	[sflag:s0] =	ssyncadd.tile.s32 @!p0 $0x1;
	_ =	shalt  }
.Lfunc_end2:
_tile_overlayer_lowered:
.L_overlay_start_2:
0x47: {  	(tag) =	ssettag $0x2  }
0x48: {  	s0 =	rddreg [dreg:$0x0];
	s2 =	stileid.u32  }
0x49: {  	s1 =	rddreg [dreg:$0x1];
	p0 =	sne.s32 s2, $0x0  }
0x4a: {  	s3 =	rddreg [dreg:$0x2];
	[bflag:$0x3] =	sbarrier.arrive $0xFFFF;
	s2 =	simm.s32 @!p0 $0x1C01  }
0x4b: {  	[timem:s3], [sflag:s2] =	dma.local @!p0 [hbm:s0], s1  }
0x4c: {  	s0 =	simm.s32 @!p0 $0x1  }
0x4d: {  	_ =	swait.ge @!p0 [sflag:s0], s1  }
0x4e: {  	s1 =	ssub.s32 @!p0 $0x0, s1;
	[sflag:s0] =	ssyncset.done @!p0 $0x0  }
0x4f: {  	[sflag:s0] =	ssyncadd.s32 @!p0 s1  }
0x50: {  	[bflag:$0x3] =	sbarrier.arrive $0xFFFF  }
0x51: {  	_ =	shalt  }

// kernel: kernel.9.cloned.1.call-start
scs
__scs_entry_jumppad:
0x0: {  	(pc) =	sbr.rel $0x88, $3  }
0x1: {  	(tag) =	ssettag $0x0;
	lr =	simm.s32 $0x1  }
0x2: {  	[smem:$0x3F99] =	sst lr;
	_ =	strace $0xD0000000  }
0x3: {  	_ = 	snop  }
0x4: {  	_ = 	snop  }
0x5: {  	_ = 	snop  }
0x6: {  	_ = 	snop  }
0x7: {  	_ = 	snop  }
__scs_overlays_trampoline_lowered:
0x8: {  	[smem:$0x3FA8] =	sst s0  }
0x9: {  	[smem:$0x3FA9] =	sst s1  }
0xa: {  	[smem:$0x3FAA] =	sst s2  }
0xb: {  	[smem:$0x3FAB] =	sst s3  }
0xc: {  	[smem:$0x3FAC] =	sst s4  }
0xd: {  	[smem:$0x3FAD] =	sst s5  }
0xe: {  	[smem:$0x3FAE] =	sst s6  }
0xf: {  	[smem:$0x3FAF] =	sst s7  }
0x10: {  	[smem:$0x3FB0] =	sst s8  }
0x11: {  	[smem:$0x3FB1] =	sst s9;
	s0 =	simm.s32 @!p0 $0x0  }
0x12: {  	s1 =	sld [smem:$0x3F97];
	s0 =	simm.s32 @p0 $0x1  }
0x13: {  	[smem:$0x3FB2] =	sst s0;
	s0 =	simm.s32 @!p1 $0x0  }
0x14: {  	s2 =	sld [smem:$0x3F96];
	s0 =	simm.s32 @p1 $0x1  }
0x15: {  	[smem:$0x3FB3] =	sst s0;
	s0 =	simm.s32 @!p2 $0x0  }
0x16: {  	s3 =	sld [smem:$0x3FDB];
	s0 =	simm.s32 @p2 $0x1  }
0x17: {  	s4 =	simm.s32 $0x1BF5;
	[smem:$0x3FB5] =	sst s0  }
0x18: {  	s0 =	sld [smem:$0x3F98];
	_ =	swait.ge [sflag:s4], $0x0  }
0x19: {  	s7 =	sld [smem:$0x3F99]  }
0x1a: {  	s8 =	sadd.s32 $0xFFFFE003, lr  }
0x1b: {  	s9 =	sadd.s32 $0xFFFFFEF7, lr;
	s5 =	simm.s32 $0xFFFFFFFF;
	p2 =	slt.u32 s8, $0xFFFFF086  }
0x1c: {  	p1 =	slt.u32 s9, $0xF7A;
	s5 =	simm.s32 @!p2 $0x0  }
0x1d: {  	s5 =	simm.s32 @p1 $0x1;
	p0 =	seq.s32 s7, s2  }
0x1e: {  	s7 =	smul.u32 @!p0 $0xF7A, s2;
	p2 =	seq.s32 @!p0 s5, $0x0  }
0x1f: {  	s9 =	smul.u32 $0xF7A, s1;
	s8 =	simm.s32 @!p0 $0x1BF5;
	p2 =	por !p2, p0  }
0x20: {  	[sflag:s8] =	ssyncset.s32 @!p0 $0xFFFFF086;
	s6 =	sadd.s32 @!p0 s3, s7;
	s7 =	simm.s32 @!p0 $0x108  }
0x21: {  	s3 =	sadd.s32 s3, s9;
	s6 =	sadd.s32 @!p0 $0x88, s6;
	s7 =	simm.s32 @p2 $0x1082  }
0x22: {  	[simem:s7], [sflag:s8] =	dma.local @!p0 [hbm:s6], $0xF7A  }
0x23: {  	s9 =	sor.u32 $0xD0000000, s2;
	s6 =	simm.s32 $0x108;
	_ =	swait.ge @!p0 [sflag:s8], $0x0  }
0x24: {  	s3 =	sadd.s32 $0x88, s3;
	s6 =	simm.s32 @!p1 $0x1082;
	[sflag:s4] =	ssyncset.s32 $0xFFFFF086  }
0x25: {  	[simem:s6], [sflag:s4] =	dma.local [hbm:s3], $0xF7A  }
0x26: {  	[smem:$0x3F99] =	sst s1;
	(tag) =	ssettag s2;
	_ =	strace s9  }
0x27: {  	s1 =	sld [smem:$0x3FA9]  }
0x28: {  	s2 =	sld [smem:$0x3FAA]  }
0x29: {  	s4 =	sld [smem:$0x3FAC]  }
0x2a: {  	p0 =	seq.s32 s5, $0x0;
	s5 =	sld [smem:$0x3FAD]  }
0x2b: {  	s6 =	sld [smem:$0x3FAE]  }
0x2c: {  	s7 =	sld [smem:$0x3FAF]  }
0x2d: {  	s3 =	simm.s32 $0x108;
	s8 =	sld [smem:$0x3FB0]  }
0x2e: {  	s3 =	simm.s32 @!p0 $0x1082;
	s9 =	sld [smem:$0x3FB1]  }
0x2f: {  	lr =	sadd.s32 s0, s3;
	s0 =	sld [smem:$0x3FA8]  }
0x30: {  	s3 =	sld [smem:$0x3FAB]  }
0x31: {  	[smem:$0x3FB4] =	sst s10  }
0x32: {  	s10 =	sld [smem:$0x3FB2];
	_ =	sdelay $0x3  }
0x33: {  	p0 =	seq.s32 s10, $0x1;
	s10 =	sld [smem:$0x3FB4];
	_ =	sdelay $0x3  }
0x34: {  	[smem:$0x3FB4] =	sst s10  }
0x35: {  	s10 =	sld [smem:$0x3FB3];
	_ =	sdelay $0x3  }
0x36: {  	p1 =	seq.s32 s10, $0x1;
	s10 =	sld [smem:$0x3FB4];
	_ =	sdelay $0x3  }
0x37: {  	[smem:$0x3FB4] =	sst s10  }
0x38: {  	s10 =	sld [smem:$0x3FB5]  }
0x39: {  	_ = 	snop;
	(pc) =	sbr.ind lr, $3  }
0x3a: {  	_ = 	snop  }
0x3b: {  	_ = 	snop  }
0x3c: {  	p2 =	seq.s32 s10, $0x1;
	s10 =	sld [smem:$0x3FB4]  }
0x3d: {  	_ =	shalt  }
0x3e: {  	_ =	shalt  }
0x3f: {  	_ =	shalt  }
0x40: {  	_ =	shalt  }
0x41: {  	_ =	shalt  }
0x42: {  	_ =	shalt  }
0x43: {  	_ =	shalt  }
0x44: {  	_ =	shalt  }
0x45: {  	_ =	shalt  }
0x46: {  	_ =	shalt  }
0x47: {  	_ =	shalt  }
0x48: {  	_ =	shalt  }
0x49: {  	_ =	shalt  }
0x4a: {  	_ =	shalt  }
0x4b: {  	_ =	shalt  }
0x4c: {  	_ =	shalt  }
0x4d: {  	_ =	shalt  }
0x4e: {  	_ =	shalt  }
0x4f: {  	_ =	shalt  }
0x50: {  	_ =	shalt  }
0x51: {  	_ =	shalt  }
0x52: {  	_ =	shalt  }
0x53: {  	_ =	shalt  }
0x54: {  	_ =	shalt  }
0x55: {  	_ =	shalt  }
0x56: {  	_ =	shalt  }
0x57: {  	_ =	shalt  }
0x58: {  	_ =	shalt  }
0x59: {  	_ =	shalt  }
0x5a: {  	_ =	shalt  }
0x5b: {  	_ =	shalt  }
0x5c: {  	_ =	shalt  }
0x5d: {  	_ =	shalt  }
0x5e: {  	_ =	shalt  }
0x5f: {  	_ =	shalt  }
0x60: {  	_ =	shalt  }
0x61: {  	_ =	shalt  }
0x62: {  	_ =	shalt  }
0x63: {  	_ =	shalt  }
0x64: {  	_ =	shalt  }
0x65: {  	_ =	shalt  }
0x66: {  	_ =	shalt  }
0x67: {  	_ =	shalt  }
0x68: {  	_ =	shalt  }
0x69: {  	_ =	shalt  }
0x6a: {  	_ =	shalt  }
0x6b: {  	_ =	shalt  }
0x6c: {  	_ =	shalt  }
0x6d: {  	_ =	shalt  }
0x6e: {  	_ =	shalt  }
0x6f: {  	_ =	shalt  }
0x70: {  	_ =	shalt  }
0x71: {  	_ =	shalt  }
0x72: {  	_ =	shalt  }
0x73: {  	_ =	shalt  }
0x74: {  	_ =	shalt  }
0x75: {  	_ =	shalt  }
0x76: {  	_ =	shalt  }
0x77: {  	_ =	shalt  }
0x78: {  	_ =	shalt  }
0x79: {  	_ =	shalt  }
0x7a: {  	_ =	shalt  }
0x7b: {  	_ =	shalt  }
0x7c: {  	_ =	shalt  }
0x7d: {  	_ =	shalt  }
0x7e: {  	_ =	shalt  }
0x7f: {  	_ =	shalt  }
0x80: {  	_ =	shalt  }
0x81: {  	_ =	shalt  }
0x82: {  	_ =	shalt  }
0x83: {  	_ =	shalt  }
0x84: {  	_ =	shalt  }
0x85: {  	_ =	shalt  }
0x86: {  	_ =	shalt  }
0x87: {  	_ =	shalt  }
.Lfunc_end0:
.L_simem_size_0:
called_computation.1_lowered:
.L_overlay_start_0:
0x88: {  	s2 =	sld [smem:$0x3FD9]  }
0x89: {  	s3 =	sld [smem:$0x3FFE];
	_ =	sdelay $0x1  }
0x8a: {  	s1 =	srdreg.scid  }
0x8b: {  	s0 =	sand.u32 $0x1, s1  }
0x8c: {  	s16 =	sshll.u32 s0, $0xA;
	s2 =	sadd.s32 s3, s2  }
0x8d: {  	s2 =	sadd.s32 s2, s16  }
0x8e: {  	[smem:$0x3FC0] =	sst s2  }
0x8f: {  	_ = 	snop  }
0x90: {  	(tm) =	ssettm $0x1  }
0x91: {  	s17 =	sld [smem:$0x3FFB];
	_ =	sdelay $0x3  }
0x92: {  	_ =	strace s17  }
0x93: {  	s2 =	sld [smem:$0x3FFC];
	_ =	sdelay $0x3  }
0x94: {  	_ =	strace s2  }
0x95: {  	s2 =	sld [smem:$0x3FFD];
	_ =	sdelay $0x3  }
0x96: {  	_ =	strace s2  }
0x97: {  	_ =	strace $0x8FFFFFFF  }
0x98: {  	s18 =	sld [smem:$0x3FDB];
	_ =	sdelay $0x1  }
0x99: {  	s19 =	simm.s32 $_scs_section_size  }
0x9a: {  	s4 =	simm.s32 $_size__tile_overlayer_lowered;
	s5 =	simm.s32 $_tile_overlayer_lowered  }
0x9b: {  	s22 =	simm.s32 $0x1BFF;
	s21 =	sshll.u32 s5, $0x1;
	s2 =	sadd.s32 s19, s18  }
0x9c: {  	s6 =	simm.s32 $0x0;
	s20 =	sshll.u32 s4, $0x1;
	s4 =	sadd.s32 s21, s2  }
0x9d: {  	[timem:s6], [sflag:s22] =	dma.local [hbm:s4], s20  }
0x9e: {  	_ =	swait.ge [sflag:s22], s20  }
0x9f: {  	s3 =	ssub.s32 $0x0, s20;
	[sflag:s22] =	ssyncset.done $0x0  }
0xa0: {  	[sflag:s22] =	ssyncadd.s32 s3;
	_ =	sdelay $0x1  }
0xa1: {  	s23 =	simm.s32 $0x1B8B  }
0xa2: {  	_ =	swait.ge [sflag:s23], $0x1  }
0xa3: {  	[sflag:s23] =	ssyncset.done $0x0  }
0xa4: {  	s25 =	simm.s32 $0x1B8E;
	s24 =	sld [smem:$0x3FFE];
	[sflag:s23] =	ssyncadd.s32 $0xFFFFFFFF  }
0xa5: {  	s26 =	simm.s32 $execute0_lowered;
	[smem:$0x3FD2] =	sst s25  }
0xa6: {  	s4 =	sshll.u32 s26, $0x1;
	_ =	strace $0x80000049;
	[dreg:$0x1] =	wrdreg $0xFFFFFFFF  }
0xa7: {  	s28 =	simm.s32 $_size_execute0_lowered;
	s2 =	sadd.s32 s2, s4;
	[dreg:$0x0] =	wrdreg $0x0  }
0xa8: {  	s4 =	sshll.u32 s28, $0x1;
	[dreg:$0x2] =	wrdreg s2  }
0xa9: {  	[dreg:$0x3] =	wrdreg s4  }
0xaa: {  	[dreg:$0x4] =	wrdreg $0xC0  }
0xab: {  	_ =	task [dreg:s6], $0x5FFFF  }
0xac: {  	[dreg:$0x1] =	wrdreg $0xFFFFFFFF  }
0xad: {  	[dreg:$0x0] =	wrdreg $0x60  }
0xae: {  	[dreg:$0x2] =	wrdreg s24  }
0xaf: {  	[dreg:$0x3] =	wrdreg $0x162380  }
0xb0: {  	[dreg:$0x4] =	wrdreg $0x16E780  }
0xb1: {  	[dreg:$0x5] =	wrdreg $0x9  }
0xb2: {  	_ =	task.clear_ibuf [dreg:s6], $0x6FFFF;
	_ =	strace $0x90000049  }
0xb3: {  	s29 =	simm.s32 $0x9;
	_ =	strace $0x8000004B  }
0xb4: {  	_ =	swait.ge [sflag:s29], $0x1  }
0xb5: {  	[sflag:s29] =	ssyncadd.s32 $0xFFFFFFFF  }
0xb6: {  	_ =	strace $0x9000004B  }
0xb7: {  	_ =	sfence  }
0xb8: {  	s30 =	sld [smem:$0x0];
	_ =	sdelay $0x2  }
0xb9: {  	s31 =	sshll.u32 s1, $0xD;
	s1 =	sshrl.u32 s1, $0x2  }
0xba: {  	s3 =	sand.u32 $0x4000, s31;
	s1 =	sadd.s32 s1, s30  }
0xbb: {  	s0 =	sor.u32 s3, s0;
	s1 =	sshll.u32 s1, $0x11  }
0xbc: {  	s0 =	sor.u32 s1, s0  }
0xbd: {  	s0 =	sadd.s32 $0x8F2B, s0  }
0xbe: {  	[sflag:s0] =	ssyncadd.remote.s32 $0x1  }
0xbf: {  	_ =	sfence.sel $0xFFFF  }
0xc0: {  	[dreg:$0x0] =	wrdreg $0xFFFFFFFF;
	(pc) =	sbr.abs _section_cstart, $3  }
0xc1: {  	[dreg:$0x1] =	wrdreg $0xFFFFFFFF  }
0xc2: {  	_ =	task.clear_ibuf [dreg:s6], $0x2FFFF;
	_ =	strace $0x9FFFFFFF  }
0xc3: {  	(tm) =	ssettm $0x7FFFFFFF  }
tec
execute0_lowered:
.L_overlay_start_1:
0x0: {  	(tag) =	ssettag $0x1  }
0x1: {  	s1 =	srdreg.scid  }
0x2: {  	s0 =	stileid.u32;
	s6 =	rddreg [dreg:$0x0]  }
0x3: {  	s2 =	rddreg [dreg:$0x1];
	s17 =	simm.s32 $0x124F8;
	s18 =	simm.s32 $0x2  }
0x4: {  	s19 =	simm.s32 $0x13138;
	s20 =	simm.s32 $0x13D78;
	s21 =	simm.s32 $0x155F8  }
0x5: {  	s22 =	simm.s32 $0x61A8;
	s23 =	simm.s32 $0xC350;
	s24 =	simm.s32 $0x1  }
0x6: {  	s25 =	simm.s32 $0x0;
	s1 =	sand.u32 $0x1, s1;
	s3 =	sshll.u32 s0, $0x1  }
0x7: {  	s10 =	smul.u32 $0xC40, s0;
	s4 =	sor.u32 s1, s3;
	s3 =	rddreg [dreg:$0x2]  }
0x8: {  	s7 =	smul.u32 $0xC400, s1;
	s8 =	ssub.s32 $0x2, s1;
	p0 =	sne.s32 s1, $0x0  }
0x9: {  	s5 =	smul.u32 $0xC35, s4;
	s4 =	simm.s32 $0x0;
	s9 =	sshrl.u32 s10, $0x3  }
0xa: {  	s11 =	sshrl.u32 s8, $0x1;
	[smem:$0x7FF] =	sst s4;
	s7 =	sadd.s32 s10, s7  }
0xb: {  	s12 =	sadd.s32 s9, s6;
	s16 =	ssub.s32 s8, s11;
	s9 =	sadd.s32 s10, s2  }
0xc: {  	s10 =	sadd.s32 s10, s3;
	_ =	strace $0x8000004A;
	s14 =	sadd.s32 s5, s6  }
0xd: {  	s5 =	sadd.s32 $0x32E00, s6;
	s7 =	sshrl.u32 s7, $0x3;
	s8 =	sadd.s32 $0x34A00, s12  }
0xe: {  	s11 =	sadd.s32 $0x3BC00, s12;
	s16 =	smax.u32 s16, $0x1;
	s15 =	sadd.s32 s7, s6  }
0xf: {  	s6 =	sadd.s32 $0x37000, s12;
	s7 =	sadd.s32 $0x33000, s12;
	s12 =	sadd.s32 $0x3D600, s12  }
0x10: {  	s13 =	sadd.s32 $0x1A600, s14;
	s14 =	sadd.s32 $0x1E00, s14;
	s15 =	sadd.s32 $0x38A00, s15  }
.LBB2_1:
0x11: {  	[tilespmem:s17], [sflag:$0x2] =	stream.linear.gather [hbm4b:s6+s4], $0xC40, $0x38;
	[tilespmem:$0x17AB8] =	vst v63  }
0x12: {  	_ =	swait.ge [sflag:s18], $0xC40  }
0x13: {  	[sflag:s18] =	ssyncset.done $0x0  }
0x14: {  	[sflag:s18] =	ssyncadd.s32 $0xFFFFF3C0  }
0x15: {  	[tilespmem:s19], [sflag:$0x2] =	stream.linear.gather [hbm4b:s7+s4], $0xC40, $0x38;
	[tilespmem:$0x17AB8] =	vst v63  }
0x16: {  	_ =	swait.ge [sflag:s18], $0xC40  }
0x17: {  	[sflag:s18] =	ssyncset.done $0x0  }
0x18: {  	[sflag:s18] =	ssyncadd.s32 $0xFFFFF3C0  }
0x19: {  	[tilespmem:s20], [sflag:$0x2] =	stream.linear.gather [hbm4b:s8+s4], $0xC40, $0x38;
	[tilespmem:$0x17AB8] =	vst v63  }
0x1a: {  	_ =	swait.ge [sflag:s18], $0xC40  }
0x1b: {  	[sflag:s18] =	ssyncset.done $0x0  }
0x1c: {  	[sflag:s18] =	ssyncadd.s32 $0xFFFFF3C0  }
0x1d: {  	[tilespmem:s21], [sflag:$0x2] =	stream.linear.gather [hbm4b:s5+s4], $0xC40, $0x38;
	[tilespmem:$0x17AB8] =	vst v63  }
0x1e: {  	_ =	swait.ge [sflag:s18], $0xC40  }
0x1f: {  	[sflag:s18] =	ssyncset.done $0x0  }
0x20: {  	s31 =	simm.s32 $0x0;
	[sflag:s18] =	ssyncadd.s32 $0xFFFFF3C0  }
0x21: {  	v0 =	vld [tilespmem:s31+$0x13138]  }
0x22: {  	v1 =	vld [tilespmem:s31+$0x13D78];
	_ =	sdelay $0x4  }
0x23: {  	v0 =	vadd.f32 v1, v0  }
0x24: {  	s28 =	simm.s32 $0x10  }
0x25: {  	v2 =	vld [tilespmem:s28+$0x13D78];
	v0 =	vadd.f32 $1.000000000e+00, v0  }
0x26: {  	v1 =	vld [tilespmem:s28+$0x13138]  }
0x27: {  	v3 =	vshrl.u32 v0, $0x1;
	v5 =	vmul.f32 $5.000000000e-01, v0  }
0x28: {  	v0 =	vsub.s32 $0x5F3759DF, v3  }
0x29: {  	v3 =	vmul.f32 v0, v5;
	_ =	sdelay $0x1  }
0x2a: {  	s26 =	simm.s32 $0x20;
	v1 =	vadd.f32 v2, v1;
	v2 =	vmul.f32 v0, v3  }
0x2b: {  	v4 =	vld [tilespmem:s26+$0x13D78]  }
0x2c: {  	v1 =	vadd.f32 $1.000000000e+00, v1;
	v3 =	vld [tilespmem:s26+$0x13138];
	v2 =	vsub.f32 $1.500000000e+00, v2;
	_ =	sdelay $0x1  }
0x2d: {  	v6 =	vshrl.u32 v1, $0x1;
	v1 =	vmul.f32 $5.000000000e-01, v1;
	v2 =	vmul.f32 v0, v2  }
0x2e: {  	v6 =	vsub.s32 $0x5F3759DF, v6  }
0x2f: {  	v0 =	vmul.f32 v6, v1;
	v7 =	vmul.f32 v2, v5  }
0x30: {  	v3 =	vadd.f32 v4, v3  }
0x31: {  	s29 =	simm.s32 $0x30;
	v0 =	vmul.f32 v6, v0;
	v4 =	vmul.f32 v7, v2  }
0x32: {  	v9 =	vld [tilespmem:s29+$0x13D78];
	v3 =	vadd.f32 $1.000000000e+00, v3  }
0x33: {  	v7 =	vld [tilespmem:s29+$0x13138];
	v8 =	vsub.f32 $1.500000000e+00, v0;
	v10 =	vsub.f32 $1.500000000e+00, v4  }
0x34: {  	v0 =	vmul.f32 $5.000000000e-01, v3;
	v4 =	vshrl.u32 v3, $0x1  }
0x35: {  	v3 =	vmul.f32 v6, v8;
	v4 =	vsub.s32 $0x5F3759DF, v4;
	v2 =	vmul.f32 v10, v2  }
0x36: {  	v6 =	vmul.f32 v4, v0  }
0x37: {  	v8 =	vmul.f32 v3, v1;
	v10 =	vmul.f32 v2, v5  }
0x38: {  	s30 =	simm.s32 $0x40;
	v7 =	vadd.f32 v9, v7;
	v6 =	vmul.f32 v4, v6  }
0x39: {  	v5 =	vld [tilespmem:s30+$0x13138];
	v11 =	vmul.f32 v8, v3;
	v12 =	vmul.f32 v10, v2  }
0x3a: {  	v8 =	vadd.f32 $1.000000000e+00, v7;
	v7 =	vld [tilespmem:s31+$0x124F8];
	v9 =	vsub.f32 $1.500000000e+00, v6  }
0x3b: {  	s1 =	simm.s32 $0x140;
	v6 =	vld [tilespmem:s30+$0x13D78];
	v10 =	vsub.f32 $1.500000000e+00, v11;
	v11 =	vsub.f32 $1.500000000e+00, v12  }
.LBB2_2:
0x3c: {  	p1 =	sne.s32 s1, $0x30C0;
	v12 =	vshrl.u32 v8, $0x1;
	v8 =	vmul.f32 $5.000000000e-01, v8;
	v9 =	vmul.f32 v4, v9  }
0x3d: {  	v4 =	vsub.s32 $0x5F3759DF, v12;
	v11 =	vmul.f32 v11, v2;
	v2 =	vmul.f32 v10, v3  }
0x3e: {  	v10 =	vmul.f32 v4, v8;
	v12 =	vmul.f32 v9, v0;
	v3 =	vmov v9  }
.Ltmp0:
0x3f: {  	v9 =	vmul.f32 v2, v1;
	[tilespmem:s31+$0x149B8] =	vst v11;
	v7 =	vmul.f32 v11, v7;
	v1 =	vmovc v0;
	v0 =	vmov v8;
	(pc) =	sbr.rel @p1 .LBB2_2-.Ltmp0, $4  }
0x40: {  	s0 =	sshra.s32 s1, $0x2;
	v6 =	vadd.f32 v6, v5;
	v10 =	vmul.f32 v4, v10  }
0x41: {  	v11 =	vmul.f32 v12, v3;
	v5 =	vld [tilespmem:s0+$0x13138];
	v12 =	vmul.f32 v9, v2;
	[tilespmem:s31+$0x124F8] =	vst v7;
	s31 =	smov.u32 s28;
	s28 =	smov.u32 s26;
	s26 =	smov.u32 s29  }
0x42: {  	s29 =	smov.u32 s30;
	s30 =	smov.u32 s0;
	v8 =	vadd.f32 $1.000000000e+00, v6;
	v9 =	vsub.f32 $1.500000000e+00, v10;
	v7 =	vld [tilespmem:s31+$0x124F8]  }
0x43: {  	s1 =	sadd.s32 $0x40, s1;
	v10 =	vsub.f32 $1.500000000e+00, v11;
	v6 =	vld [tilespmem:s30+$0x13D78];
	v11 =	vsub.f32 $1.500000000e+00, v12  }
0x44: {  	v12 =	vshrl.u32 v8, $0x1;
	v42 =	vmul.f32 $5.000000000e-01, v8;
	v4 =	vmul.f32 v4, v9  }
0x45: {  	v43 =	vsub.s32 $0x5F3759DF, v12;
	v3 =	vmul.f32 v10, v3;
	v2 =	vmul.f32 v11, v2  }
0x46: {  	v44 =	vmul.f32 v43, v42;
	v45 =	vmul.f32 v4, v0  }
0x47: {  	v1 =	vmul.f32 v3, v1;
	v7 =	vmul.f32 v2, v7  }
0x48: {  	[tilespmem:s31+$0x149B8] =	vst v2;
	v46 =	vadd.f32 v6, v5;
	v47 =	vmul.f32 v43, v44  }
0x49: {  	v48 =	vmul.f32 v45, v4;
	v1 =	vmul.f32 v1, v3;
	[tilespmem:s31+$0x124F8] =	vst v7  }
0x4a: {  	v2 =	vadd.f32 $1.000000000e+00, v46;
	v5 =	vsub.f32 $1.500000000e+00, v47;
	v7 =	vld [tilespmem:s28+$0x124F8]  }
0x4b: {  	v6 =	vsub.f32 $1.500000000e+00, v48;
	v1 =	vsub.f32 $1.500000000e+00, v1  }
0x4c: {  	v49 =	vshrl.u32 v2, $0x1;
	v2 =	vmul.f32 $5.000000000e-01, v2;
	v5 =	vmul.f32 v43, v5  }
0x4d: {  	v4 =	vmul.f32 v6, v4;
	v50 =	vsub.s32 $0x5F3759DF, v49;
	v1 =	vmul.f32 v1, v3  }
0x4e: {  	v51 =	vmul.f32 v50, v2;
	v52 =	vmul.f32 v5, v42  }
0x4f: {  	v53 =	vmul.f32 v4, v0;
	v7 =	vmul.f32 v1, v7  }
0x50: {  	[tilespmem:s28+$0x149B8] =	vst v1;
	v54 =	vmul.f32 v50, v51  }
0x51: {  	v55 =	vmul.f32 v52, v5;
	v0 =	vmul.f32 v53, v4;
	[tilespmem:s28+$0x124F8] =	vst v7  }
0x52: {  	v1 =	vsub.f32 $1.500000000e+00, v54;
	v56 =	vld [tilespmem:s26+$0x124F8]  }
0x53: {  	v3 =	vsub.f32 $1.500000000e+00, v55;
	v0 =	vsub.f32 $1.500000000e+00, v0  }
0x54: {  	v1 =	vmul.f32 v50, v1  }
0x55: {  	v3 =	vmul.f32 v3, v5;
	v0 =	vmul.f32 v0, v4  }
0x56: {  	v57 =	vmul.f32 v1, v2  }
0x57: {  	v5 =	vmul.f32 v3, v42;
	v6 =	vmul.f32 v0, v56  }
0x58: {  	[tilespmem:s26+$0x149B8] =	vst v0  }
0x59: {  	v58 =	vmul.f32 v57, v1;
	v59 =	vmul.f32 v5, v3;
	[tilespmem:s26+$0x124F8] =	vst v6  }
0x5a: {  	v60 =	vld [tilespmem:s29+$0x124F8]  }
0x5b: {  	v0 =	vsub.f32 $1.500000000e+00, v58;
	v4 =	vsub.f32 $1.500000000e+00, v59;
	_ =	sdelay $0x1  }
0x5c: {  	v0 =	vmul.f32 v0, v1;
	v61 =	vmul.f32 v4, v3;
	_ =	sdelay $0x1  }
0x5d: {  	v2 =	vmul.f32 v0, v2;
	v3 =	vmul.f32 v61, v60  }
0x5e: {  	[tilespmem:s29+$0x149B8] =	vst v61  }
0x5f: {  	v62 =	vmul.f32 v2, v0;
	[tilespmem:s29+$0x124F8] =	vst v3  }
0x60: {  	v63 =	vld [tilespmem:s30+$0x124F8]  }
0x61: {  	v1 =	vsub.f32 $1.500000000e+00, v62;
	_ =	sdelay $0x1  }
0x62: {  	v0 =	vmul.f32 v1, v0;
	_ =	sdelay $0x1  }
0x63: {  	v1 =	vmul.f32 v0, v63  }
0x64: {  	[tilespmem:s30+$0x149B8] =	vst v0  }
0x65: {  	[tilespmem:s30+$0x124F8] =	vst v1  }
0x66: {  	[spmem:s9] =	stream.linear.scatter [tilespmem:s17], [sflag:$0x2], $0xC40, $0x38;
	[tilespmem:$0x17AB8] =	vst v63  }
0x67: {  	_ =	swait.ge [sflag:s18], $0xC40  }
0x68: {  	[sflag:s18] =	ssyncset.done $0x0  }
0x69: {  	[sflag:s18] =	ssyncadd.s32 $0xFFFFF3C0  }
0x6a: {  	[spmem:s10] =	stream.linear.scatter [tilespmem:s21], [sflag:$0x2], $0xC40, $0x38;
	[tilespmem:$0x17AB8] =	vst v63  }
0x6b: {  	_ =	swait.ge [sflag:s18], $0xC40  }
0x6c: {  	[sflag:s18] =	ssyncset.done $0x0  }
0x6d: {  	s0 =	simm.s32 @!p0 $0x0;
	s1 =	simm.s32 @!p0 $0x149B8;
	[sflag:s18] =	ssyncadd.s32 $0xFFFFF3C0  }
0x6e: {  	[hbm4b:s11+s0] =	stream.linear.scatter @!p0 [tilespmem:s1], [sflag:$0x2], $0xC40, $0x38;
	[tilespmem:$0x17AB8] =	vst v63  }
0x6f: {  	s1 =	simm.s32 @!p0 $0x2  }
0x70: {  	_ =	swait.ge @!p0 [sflag:s1], $0xC40  }
0x71: {  	[sflag:s1] =	ssyncset.done @!p0 $0x0  }
0x72: {  	s26 =	simm.s32 @!p0 $0x124F8;
	[sflag:s1] =	ssyncadd.s32 @!p0 $0xFFFFF3C0  }
0x73: {  	[hbm4b:s12+s0] =	stream.linear.scatter @!p0 [tilespmem:s26], [sflag:$0x2], $0xC40, $0x38;
	[tilespmem:$0x17AB8] =	vst v63  }
0x74: {  	_ =	swait.ge @!p0 [sflag:s1], $0xC40  }
0x75: {  	[sflag:s1] =	ssyncset.done @!p0 $0x0  }
0x76: {  	[sflag:s1] =	ssyncadd.s32 @!p0 $0xFFFFF3C0  }
0x77: {  	[bflag:$0x0] =	sbarrier.arrive $0xFFFF  }
0x78: {  	[tilespmem:s4], [sflag:$0x2] =	stream.linear.gather [hbm4b:s13+s4], $0x61A8, $0x38;
	[tilespmem:$0x17AB8] =	vst v63  }
0x79: {  	_ =	swait.ge [sflag:s18], $0x61A8  }
0x7a: {  	[sflag:s18] =	ssyncset.done $0x0  }
0x7b: {  	[sflag:s18] =	ssyncadd.s32 $0xFFFF9E58  }
0x7c: {  	[tilespmem:s22], [sflag:$0x2] =	stream.linear.gather [hbm4b:s14+s4], $0x61A8, $0x38;
	[tilespmem:$0x17AB8] =	vst v63  }
0x7d: {  	_ =	swait.ge [sflag:s18], $0x61A8  }
0x7e: {  	[sflag:s18] =	ssyncset.done $0x0  }
0x7f: {  	[sflag:s18] =	ssyncadd.s32 $0xFFFF9E58  }
0x80: {  	[tilespmem:s23], [sflag:$0x1] =	stream.indirect.gather [spmem:s2], $0x1, s4, s22, $0xb8;
	[tilespmem:$0x17AB8] =	vst v63  }
0x81: {  	_ =	swait.ge [sflag:s24], $0x61A8  }
0x82: {  	[sflag:s24] =	ssyncset.done $0x0  }
0x83: {  	[sflag:s24] =	ssyncadd.s32 $0xFFFF9E58  }
0x84: {  	[spmem:s3] =	stream.indirect.scatter.add.f32 [tilespmem:s23], [sflag:$0x2], $0x1, s22, s22, $0xb8;
	[tilespmem:$0x17AB8] =	vst v63  }
0x85: {  	_ =	swait.ge [sflag:s18], $0x61A8  }
0x86: {  	[sflag:s18] =	ssyncset.done $0x0  }
0x87: {  	[sflag:s18] =	ssyncadd.s32 $0xFFFF9E58  }
0x88: {  	[bflag:$0x0] =	sbarrier.arrive $0xFFFF  }
0x89: {  	[tilespmem:s21], [sflag:$0x2] =	stream.linear.gather [spmem:s10], $0xC40, $0x38;
	[tilespmem:$0x17AB8] =	vst v63  }
0x8a: {  	s25 =	sadd.s32 $0x1, s25;
	_ =	swait.ge [sflag:s18], $0xC40  }
0x8b: {  	p1 =	sne.s32 s25, s16;
	[sflag:s18] =	ssyncset.done $0x0  }
.Ltmp1:
0x8c: {  	[sflag:s18] =	ssyncadd.s32 $0xFFFFF3C0;
	(pc) =	sbr.rel @p1 .LBB2_1-.Ltmp1, $4  }
0x8d: {  	[hbm4b:s15+s4] =	stream.linear.scatter [tilespmem:s21], [sflag:$0x2], $0xC40, $0x38;
	[tilespmem:$0x17AB8] =	vst v63  }
0x8e: {  	_ =	swait.ge [sflag:s18], $0xC40  }
0x8f: {  	[sflag:s18] =	ssyncset.done $0x0  }
0x90: {  	[sflag:s18] =	ssyncadd.s32 $0xFFFFF3C0  }
0x91: {  	_ =	sfence.sel $0x180000  }
0x92: {  	[bflag:$0x0] =	sbarrier.arrive $0xFFFF  }
0x93: {  	_ =	strace $0x9000004A  }
0x94: {  	s0 =	stileid.u32;
	[bflag:$0x2] =	sbarrier.arrive $0xFFFF  }
0x95: {  	p0 =	sne.s32 s0, $0x0;
	s0 =	rddreg [dreg:$0x3]  }
0x96: {  	s0 =	sadd.s32 @!p0 $0x100000, s0  }
0x97: {  	[sflag:s0] =	ssyncadd.tile.s32 @!p0 $0x1;
	_ =	shalt  }
.Lfunc_end2:
_tile_overlayer_lowered:
.L_overlay_start_2:
0x98: {  	(tag) =	ssettag $0x2  }
0x99: {  	s0 =	rddreg [dreg:$0x0];
	s2 =	stileid.u32  }
0x9a: {  	s1 =	rddreg [dreg:$0x1];
	p0 =	sne.s32 s2, $0x0  }
0x9b: {  	s3 =	rddreg [dreg:$0x2];
	[bflag:$0x3] =	sbarrier.arrive $0xFFFF;
	s2 =	simm.s32 @!p0 $0x1C02  }
0x9c: {  	[timem:s3], [sflag:s2] =	dma.local @!p0 [hbm:s0], s1  }
0x9d: {  	s0 =	simm.s32 @!p0 $0x2  }
0x9e: {  	_ =	swait.ge @!p0 [sflag:s0], s1  }
0x9f: {  	s1 =	ssub.s32 @!p0 $0x0, s1;
	[sflag:s0] =	ssyncset.done @!p0 $0x0  }
0xa0: {  	[sflag:s0] =	ssyncadd.s32 @!p0 s1  }
0xa1: {  	[bflag:$0x3] =	sbarrier.arrive $0xFFFF  }
0xa2: {  	_ =	shalt  }

</sc_bundles>
